<compile_context>
chip_gen: v7x
topology: tpu7x:2x2x1
jax: 0.10.2.dev20260603
libtpu: 0.0.44.dev20260713+nightly
codegen_flags: <defaults>
</compile_context>

<pallas_src>
import functools

import jax
import jax.numpy as jnp
from jax import lax
from jax.experimental import pallas as pl
from jax.experimental.pallas import tpu as pltpu
from jax.experimental.pallas import tpu_sc as plsc

P_PAD = 24
NW = 32
CHUNK = 128


def _dot(x, y):
    return jax.lax.dot_general(
        x.astype(jnp.bfloat16), y.astype(jnp.bfloat16),
        (((1,), (0,)), ((), ())), preferred_element_type=jnp.float32)


def _tc_body(feat_ref, scal_ref, W1p_ref, b1_ref, W2_ref, b2_ref,
             W3a_ref, W3b_ref, b3_ref, W4_ref, b4_ref,
             slW1_ref, slb1_ref, slW2_ref, slb2_ref, out_ref, *, B):
    BP = B * P_PAD
    a = feat_ref[...]
    vmrep = _dot(a[:, 6:7], jnp.ones((1, 256), jnp.float32))
    h1 = jnp.maximum(_dot(a, W1p_ref[...]) + b1_ref[...], 0.0)
    h = (_dot(h1, W2_ref[...]) + b2_ref[...]) * vmrep
    pooled = jnp.max(h.reshape(B, P_PAD, 256), axis=1)
    g2 = _dot(pooled, W3b_ref[...]) + b3_ref[...]
    t1 = _dot(h, W3a_ref[...])
    h3 = jnp.maximum(t1.reshape(B, P_PAD, 256) + g2[:, None, :], 0.0)
    h3 = h3.reshape(BP, 256)
    h4 = (_dot(h3, W4_ref[...]) + b4_ref[...]) * vmrep[:, :128]
    x_poly = jnp.max(h4.reshape(B, P_PAD, 128), axis=1)

    s = scal_ref[...]
    sl1 = jnp.maximum(_dot(s[:, 0:1], slW1_ref[...]) + slb1_ref[...], 0.0)
    sl = _dot(sl1, slW2_ref[...]) + slb2_ref[...]
    hs = _dot(s[:, 1:2], jnp.ones((1, 128), jnp.float32))
    out_ref[...] = x_poly + hs * sl


def _sc_body(tc_hbm, idx_hbm, table_hbm, out_hbm, idx_v, acc_v, sem):
    n = tc_hbm.shape[0]
    rows = n // NW
    n_ch = rows // CHUNK
    wid = lax.axis_index("s") * 2 + lax.axis_index("c")
    base = wid * rows
    pltpu.sync_copy(tc_hbm.at[pl.ds(base, rows)], acc_v)
    pltpu.sync_copy(idx_hbm.at[wid], idx_v)
    cps = [pltpu.async_copy(table_hbm.at[idx_v.at[j * n_ch + c]],
                            acc_v.at[pl.ds(c * CHUNK, CHUNK)], sem,
                            add=True)
           for j in range(4) for c in range(n_ch)]
    for cp in cps:
        cp.wait()
    pltpu.sync_copy(acc_v, out_hbm.at[pl.ds(base, rows)])


def kernel(polygon_center, polygon_type, polygon_on_route, polygon_tl_status,
           polygon_has_speed_limit, polygon_speed_limit, point_position,
           point_vector, point_orientation, valid_mask,
           pe_W1, pe_b1, pe_W2, pe_b2, pe_W3, pe_b3, pe_W4, pe_b4,
           sl_W1, sl_b1, sl_W2, sl_b2, type_emb, on_route_emb, tl_emb,
           unknown_speed_emb):
    bs, M, P = point_orientation.shape[0], point_orientation.shape[1], point_orientation.shape[3]
    N = bs * M
    B = 512

    bf = jnp.bfloat16
    pt_pos = (point_position[:, :, 0]
              - polygon_center[..., None, :2]).astype(bf)
    vec = point_vector[:, :, 0].astype(bf)
    ori = point_orientation[:, :, 0]
    trig = jnp.stack([jnp.cos(ori), jnp.sin(ori)], axis=-1).astype(bf)
    vmz = jnp.stack([valid_mask.astype(bf),
                     jnp.zeros(valid_mask.shape, bf)], axis=-1)
    rows = jnp.concatenate([pt_pos, vec, trig, vmz], axis=-1)
    pad = P_PAD - P
    feat = jnp.concatenate(
        [rows, jnp.zeros((bs, M, pad, 8), bf)], axis=2).reshape(N * P_PAD, 8)

    scal = jnp.concatenate(
        [polygon_speed_limit[..., None].astype(bf),
         polygon_has_speed_limit[..., None].astype(bf),
         jnp.zeros((bs, M, 6), bf)], axis=-1)
    scal = scal.reshape(N, 8)

    W1p = jnp.zeros((8, 128), jnp.float32).at[:6].set(pe_W1)
    W3a, W3b = pe_W3[:256], pe_W3[256:]
    row = lambda b: b.reshape(1, -1)

    ctable = jnp.concatenate(
        [type_emb, on_route_emb, tl_emb, unknown_speed_emb,
         jnp.zeros((7, 128), jnp.float32)], axis=0)
    idx_all = jnp.stack(
        [polygon_type.reshape(N),
         3 + polygon_on_route.reshape(N),
         5 + polygon_tl_status.reshape(N),
         jnp.where(polygon_has_speed_limit.reshape(N), 10, 9)],
        axis=0).astype(jnp.int32)
    rows_w = N // NW
    n_ch = rows_w // CHUNK
    idx_all = idx_all.reshape(4, NW, n_ch, CHUNK).transpose(1, 0, 2, 3)
    idx_all = idx_all.reshape(NW, 4 * n_ch, CHUNK)

    grid = N // B
    const = lambda shape: pl.BlockSpec(shape, lambda i: (0, 0))
    out = pl.pallas_call(
        functools.partial(_tc_body, B=B),
        grid=(grid,),
        in_specs=[
            pl.BlockSpec((B * P_PAD, 8), lambda i: (i, 0)),
            pl.BlockSpec((B, 8), lambda i: (i, 0)),
            const((8, 128)), const((1, 128)),
            const((128, 256)), const((1, 256)),
            const((256, 256)), const((256, 256)), const((1, 256)),
            const((256, 128)), const((1, 128)),
            const((1, 128)), const((1, 128)),
            const((128, 128)), const((1, 128)),
        ],
        out_specs=pl.BlockSpec((B, 128), lambda i: (i, 0)),
        out_shape=jax.ShapeDtypeStruct((N, 128), jnp.float32),
    )(feat, scal, W1p, row(pe_b1), pe_W2, row(pe_b2),
      W3a, W3b, row(pe_b3), pe_W4, row(pe_b4),
      sl_W1, row(sl_b1), sl_W2, row(sl_b2))

    sc_k = functools.partial(
        pl.kernel,
        out_type=jax.ShapeDtypeStruct((N, 128), jnp.float32),
        mesh=plsc.VectorSubcoreMesh(core_axis_name="c",
                                    subcore_axis_name="s"),
        scratch_types=[
            pltpu.VMEM((4 * n_ch, CHUNK), jnp.int32),
            pltpu.VMEM((rows_w, 128), jnp.float32),
            pltpu.SemaphoreType.DMA,
        ],
    )(_sc_body)
    final = sc_k(out, idx_all, ctable)
    return final.reshape(bs, M, 128)

# --- scband reference (transcript-rebuilt; emitter-appended) ---
"""Pipeline reference for scband-map-encoder-31499290149152 (READ-ONLY COPY).

The authoritative reference and input builder live on the scoring server;
editing this copy changes nothing except your own understanding.
"""

import jax, jax.numpy as jnp
import numpy as np


def _mlp2(x, W1, b1, W2, b2):
    return jnp.maximum(x @ W1 + b1, 0.0) @ W2 + b2


def _points_encoder(x, mask, w1, b1, w2, b2, w3, b3, w4, b4):
    # x: [N, P, C], mask: [N, P] bool. PointsEncoder (planTF): per-point MLP,
    # masked max-pool, concat global feature, second MLP, masked max-pool.
    # BatchNorm layers are eval-mode identity (running mean 0 / var 1).
    N, P, C = x.shape
    h = _mlp2(x, w1, b1, w2, b2)
    h = jnp.where(mask[..., None], h, 0.0)
    pooled = jnp.max(h, axis=1)
    h2 = jnp.concatenate([h, jnp.broadcast_to(pooled[:, None, :], (N, P, pooled.shape[-1]))], axis=-1)
    h2 = _mlp2(h2, w3, b3, w4, b4)
    h2 = jnp.where(mask[..., None], h2, 0.0)
    return jnp.max(h2, axis=1)


def setup_inputs(seed: int = 0):
    key = jax.random.key(seed)
    ks = jax.random.split(key, 24)
    bs, M, P, dim, C = 32, 512, 20, 128, 6
    inp = {}
    inp['polygon_center'] = jax.random.normal(ks[0], (bs, M, 3), dtype=jnp.float32)
    inp['polygon_type'] = jax.random.randint(ks[1], (bs, M), 0, 3)
    inp['polygon_on_route'] = jax.random.randint(ks[2], (bs, M), 0, 2)
    inp['polygon_tl_status'] = jax.random.randint(ks[3], (bs, M), 0, 4)
    inp['polygon_has_speed_limit'] = jax.random.randint(ks[4], (bs, M), 0, 2).astype(bool)
    inp['polygon_speed_limit'] = jax.random.uniform(ks[5], (bs, M), dtype=jnp.float32) * 30.0
    inp['point_position'] = jax.random.normal(ks[6], (bs, M, 3, P, 2), dtype=jnp.float32)
    inp['point_vector'] = jax.random.normal(ks[7], (bs, M, 3, P, 2), dtype=jnp.float32)
    inp['point_orientation'] = jax.random.normal(ks[8], (bs, M, 3, P), dtype=jnp.float32)
    vm = jax.random.randint(ks[9], (bs, M, P), 0, 2).astype(bool)
    inp['valid_mask'] = vm.at[..., 0].set(True)
    def w(k, shape):
        return jax.random.normal(k, shape, dtype=jnp.float32) * 0.02
    inp['pe_W1'] = w(ks[10], (C, 128)); inp['pe_b1'] = jnp.zeros((128,), jnp.float32)
    inp['pe_W2'] = w(ks[11], (128, 256)); inp['pe_b2'] = jnp.zeros((256,), jnp.float32)
    inp['pe_W3'] = w(ks[12], (512, 256)); inp['pe_b3'] = jnp.zeros((256,), jnp.float32)
    inp['pe_W4'] = w(ks[13], (256, dim)); inp['pe_b4'] = jnp.zeros((dim,), jnp.float32)
    inp['sl_W1'] = w(ks[14], (1, dim)); inp['sl_b1'] = jnp.zeros((dim,), jnp.float32)
    inp['sl_W2'] = w(ks[15], (dim, dim)); inp['sl_b2'] = jnp.zeros((dim,), jnp.float32)
    inp['type_emb'] = w(ks[16], (3, dim))
    inp['on_route_emb'] = w(ks[17], (2, dim))
    inp['tl_emb'] = w(ks[18], (4, dim))
    inp['unknown_speed_emb'] = w(ks[19], (1, dim))
    return inp


def reference(polygon_center, polygon_type, polygon_on_route, polygon_tl_status,
              polygon_has_speed_limit, polygon_speed_limit, point_position,
              point_vector, point_orientation, valid_mask,
              pe_W1, pe_b1, pe_W2, pe_b2, pe_W3, pe_b3, pe_W4, pe_b4,
              sl_W1, sl_b1, sl_W2, sl_b2, type_emb, on_route_emb, tl_emb,
              unknown_speed_emb):
    # remove_global_pos=True branch
    pt_pos = point_position[:, :, 0] - polygon_center[..., None, :2]
    ori = point_orientation[:, :, 0]
    feat = jnp.concatenate(
        [pt_pos, point_vector[:, :, 0],
         jnp.stack([jnp.cos(ori), jnp.sin(ori)], axis=-1)], axis=-1)
    bs, M, P, C = feat.shape
    vm = valid_mask.reshape(bs * M, P)
    feat = feat.reshape(bs * M, P, C)
    x_polygon = _points_encoder(feat, vm, pe_W1, pe_b1, pe_W2, pe_b2,
                                pe_W3, pe_b3, pe_W4, pe_b4).reshape(bs, M, -1)
    x_type = jnp.take(type_emb, polygon_type, axis=0)
    x_on_route = jnp.take(on_route_emb, polygon_on_route, axis=0)
    x_tl = jnp.take(tl_emb, polygon_tl_status, axis=0)
    sl = _mlp2(polygon_speed_limit[..., None], sl_W1, sl_b1, sl_W2, sl_b2)
    x_speed_limit = jnp.where(polygon_has_speed_limit[..., None], sl, unknown_speed_emb[0])
    return x_polygon + x_type + x_on_route + x_tl + x_speed_limit

if __name__ == "__main__":
    import jax
    _d = setup_inputs()
    print(jax.jit(kernel)(*tuple(_d.values())))

</pallas_src>

<mosaic_0001>
#map = affine_map<(d0, d1) -> (0, 0)>
#map1 = affine_map<(d0, d1) -> (0, 0, 0)>
module attributes {stable_mosaic.version = 14 : i64} {
  func.func @_sc_body(%arg0: i32, %arg1: i32, %arg2: memref<16384x128xf32, #tpu.memory_space<hbm>>, %arg3: memref<32x16x128xi32, #tpu.memory_space<hbm>>, %arg4: memref<17x128xf32, #tpu.memory_space<hbm>>, %arg5: memref<16384x128xf32, #tpu.memory_space<hbm>>, %arg6: memref<16x128xi32, #tpu.memory_space<vmem>>, %arg7: memref<512x128xf32, #tpu.memory_space<vmem>>, %arg8: memref<!tpu.dma_semaphore, #tpu.memory_space<semaphore_mem>>) attributes {dimension_semantics = [#tpu.dimension_semantics<core_parallel>, #tpu.dimension_semantics<subcore_parallel>], iteration_bounds = array<i64: 2, 16>, scalar_prefetch = 0 : i64, scratch_operands = 3 : i64, tpu.core_type = #tpu.core_type<sc_vector_subcore>, window_params = [{transform_indices = #map}, {transform_indices = #map1}, {transform_indices = #map}, {transform_indices = #map}]} {
    %mul3A = arith.constant 2 : i32
    %mul3A_0 = arith.muli %arg1, %mul3A : i32
    %add3A = arith.addi %mul3A_0, %arg0 : i32
    %mul3A_1 = arith.constant 512 : i32
    %mul3A_2 = arith.muli %add3A, %mul3A_1 : i32
    "tpu.region"() ({
      %run_scoped3A = tpu.sem_alloc : memref<!tpu.dma_semaphore, #tpu.memory_space<semaphore_mem>>
      %dma_start3A_321 = arith.constant 0 : i32
      %dma_start3A_322 = tpu.memref_slice %arg2[%mul3A_2, %dma_start3A_321] : memref<16384x128xf32, #tpu.memory_space<hbm>> -> memref<512x128xf32, #tpu.memory_space<hbm>>
      %dma_start3A_323 = arith.constant 0 : i32
      %dma_start3A_324 = tpu.memref_slice %arg2[%mul3A_2, %dma_start3A_323] : memref<16384x128xf32, #tpu.memory_space<hbm>> -> memref<512x128xf32, #tpu.memory_space<hbm>>
      tpu.enqueue_dma source(%dma_start3A_324 : memref<512x128xf32, #tpu.memory_space<hbm>>) target(%arg7 : memref<512x128xf32, #tpu.memory_space<vmem>>) target_semaphore(%run_scoped3A : memref<!tpu.dma_semaphore, #tpu.memory_space<semaphore_mem>>)
      %dma_wait3A_325 = arith.constant 0 : i32
      %dma_wait3A_326 = tpu.memref_slice %arg2[%mul3A_2, %dma_wait3A_325] : memref<16384x128xf32, #tpu.memory_space<hbm>> -> memref<512x128xf32, #tpu.memory_space<hbm>>
      %dma_wait3A_327 = arith.constant 0 : i32
      %dma_wait3A_328 = tpu.memref_slice %arg2[%mul3A_2, %dma_wait3A_327] : memref<16384x128xf32, #tpu.memory_space<hbm>> -> memref<512x128xf32, #tpu.memory_space<hbm>>
      tpu.wait_dma2 semaphore(%run_scoped3A : memref<!tpu.dma_semaphore, #tpu.memory_space<semaphore_mem>>) src(%dma_wait3A_328 : memref<512x128xf32, #tpu.memory_space<hbm>>) dst(%arg7 : memref<512x128xf32, #tpu.memory_space<vmem>>)
      tpu.yield
    }) : () -> ()
    "tpu.region"() ({
      %run_scoped3A = tpu.sem_alloc : memref<!tpu.dma_semaphore, #tpu.memory_space<semaphore_mem>>
      %dma_start3A_321 = arith.constant 0 : i32
      %dma_start3A_322 = arith.constant 0 : i32
      %dma_start3A_323 = tpu.memref_slice %arg3[%add3A, %dma_start3A_321, %dma_start3A_322] : memref<32x16x128xi32, #tpu.memory_space<hbm>> -> memref<1x16x128xi32, #tpu.memory_space<hbm>>
      %dma_start3A_324 = tpu.memref_squeeze %dma_start3A_323 : memref<1x16x128xi32, #tpu.memory_space<hbm>> -> memref<16x128xi32, #tpu.memory_space<hbm>>
      %dma_start3A_325 = arith.constant 0 : i32
      %dma_start3A_326 = arith.constant 0 : i32
      %dma_start3A_327 = tpu.memref_slice %arg3[%add3A, %dma_start3A_325, %dma_start3A_326] : memref<32x16x128xi32, #tpu.memory_space<hbm>> -> memref<1x16x128xi32, #tpu.memory_space<hbm>>
      %dma_start3A_328 = tpu.memref_squeeze %dma_start3A_327 : memref<1x16x128xi32, #tpu.memory_space<hbm>> -> memref<16x128xi32, #tpu.memory_space<hbm>>
      tpu.enqueue_dma source(%dma_start3A_328 : memref<16x128xi32, #tpu.memory_space<hbm>>) target(%arg6 : memref<16x128xi32, #tpu.memory_space<vmem>>) target_semaphore(%run_scoped3A : memref<!tpu.dma_semaphore, #tpu.memory_space<semaphore_mem>>)
      %dma_wait3A_329 = arith.constant 0 : i32
      %dma_wait3A_330 = arith.constant 0 : i32
      %dma_wait3A_331 = tpu.memref_slice %arg3[%add3A, %dma_wait3A_329, %dma_wait3A_330] : memref<32x16x128xi32, #tpu.memory_space<hbm>> -> memref<1x16x128xi32, #tpu.memory_space<hbm>>
      %dma_wait3A_332 = tpu.memref_squeeze %dma_wait3A_331 : memref<1x16x128xi32, #tpu.memory_space<hbm>> -> memref<16x128xi32, #tpu.memory_space<hbm>>
      %dma_wait3A_333 = arith.constant 0 : i32
      %dma_wait3A_334 = arith.constant 0 : i32
      %dma_wait3A_335 = tpu.memref_slice %arg3[%add3A, %dma_wait3A_333, %dma_wait3A_334] : memref<32x16x128xi32, #tpu.memory_space<hbm>> -> memref<1x16x128xi32, #tpu.memory_space<hbm>>
      %dma_wait3A_336 = tpu.memref_squeeze %dma_wait3A_335 : memref<1x16x128xi32, #tpu.memory_space<hbm>> -> memref<16x128xi32, #tpu.memory_space<hbm>>
      tpu.wait_dma2 semaphore(%run_scoped3A : memref<!tpu.dma_semaphore, #tpu.memory_space<semaphore_mem>>) src(%dma_wait3A_336 : memref<16x128xi32, #tpu.memory_space<hbm>>) dst(%arg6 : memref<16x128xi32, #tpu.memory_space<vmem>>)
      tpu.yield
    }) : () -> ()
    %dma_start3A = arith.constant 0 : i32
    %dma_start3A_3 = arith.constant 0 : i32
    %dma_start3A_4 = arith.constant 0 : i32
    %dma_start3A_5 = tpu.memref_slice %arg7[%dma_start3A_3, %dma_start3A_4] : memref<512x128xf32, #tpu.memory_space<vmem>> -> memref<128x128xf32, #tpu.memory_space<vmem>>
    %dma_start3A_6 = arith.constant 0 : i32
    %dma_start3A_7 = tpu.memref_slice %arg6[%dma_start3A, %dma_start3A_6] : memref<16x128xi32, #tpu.memory_space<vmem>> -> memref<1x128xi32, #tpu.memory_space<vmem>>
    %dma_start3A_8 = tpu.memref_squeeze %dma_start3A_7 : memref<1x128xi32, #tpu.memory_space<vmem>> -> memref<128xi32, #tpu.memory_space<vmem>>
    %dma_start3A_9 = arith.constant 0 : i32
    %dma_start3A_10 = arith.constant 0 : i32
    %dma_start3A_11 = tpu.memref_slice %arg4[%dma_start3A_9, %dma_start3A_10] : memref<17x128xf32, #tpu.memory_space<hbm>> -> memref<17x128xf32, #tpu.memory_space<hbm>>
    tpu.enqueue_indirect_dma source(%dma_start3A_11 : memref<17x128xf32, #tpu.memory_space<hbm>>) target(%dma_start3A_5 : memref<128x128xf32, #tpu.memory_space<vmem>>) offsets(%dma_start3A_8 : memref<128xi32, #tpu.memory_space<vmem>>) semaphore(%arg8 : memref<!tpu.dma_semaphore, #tpu.memory_space<semaphore_mem>>) {add = true}
    %dma_start3A_12 = arith.constant 1 : i32
    %dma_start3A_13 = arith.constant 128 : i32
    %dma_start3A_14 = arith.constant 0 : i32
    %dma_start3A_15 = tpu.memref_slice %arg7[%dma_start3A_13, %dma_start3A_14] : memref<512x128xf32, #tpu.memory_space<vmem>> -> memref<128x128xf32, #tpu.memory_space<vmem>>
    %dma_start3A_16 = arith.constant 0 : i32
    %dma_start3A_17 = tpu.memref_slice %arg6[%dma_start3A_12, %dma_start3A_16] : memref<16x128xi32, #tpu.memory_space<vmem>> -> memref<1x128xi32, #tpu.memory_space<vmem>>
    %dma_start3A_18 = tpu.memref_squeeze %dma_start3A_17 : memref<1x128xi32, #tpu.memory_space<vmem>> -> memref<128xi32, #tpu.memory_space<vmem>>
    %dma_start3A_19 = arith.constant 0 : i32
    %dma_start3A_20 = arith.constant 0 : i32
    %dma_start3A_21 = tpu.memref_slice %arg4[%dma_start3A_19, %dma_start3A_20] : memref<17x128xf32, #tpu.memory_space<hbm>> -> memref<17x128xf32, #tpu.memory_space<hbm>>
    tpu.enqueue_indirect_dma source(%dma_start3A_21 : memref<17x128xf32, #tpu.memory_space<hbm>>) target(%dma_start3A_15 : memref<128x128xf32, #tpu.memory_space<vmem>>) offsets(%dma_start3A_18 : memref<128xi32, #tpu.memory_space<vmem>>) semaphore(%arg8 : memref<!tpu.dma_semaphore, #tpu.memory_space<semaphore_mem>>) {add = true}
    %dma_start3A_22 = arith.constant 2 : i32
    %dma_start3A_23 = arith.constant 256 : i32
    %dma_start3A_24 = arith.constant 0 : i32
    %dma_start3A_25 = tpu.memref_slice %arg7[%dma_start3A_23, %dma_start3A_24] : memref<512x128xf32, #tpu.memory_space<vmem>> -> memref<128x128xf32, #tpu.memory_space<vmem>>
    %dma_start3A_26 = arith.constant 0 : i32
    %dma_start3A_27 = tpu.memref_slice %arg6[%dma_start3A_22, %dma_start3A_26] : memref<16x128xi32, #tpu.memory_space<vmem>> -> memref<1x128xi32, #tpu.memory_space<vmem>>
    %dma_start3A_28 = tpu.memref_squeeze %dma_start3A_27 : memref<1x128xi32, #tpu.memory_space<vmem>> -> memref<128xi32, #tpu.memory_space<vmem>>
    %dma_start3A_29 = arith.constant 0 : i32
    %dma_start3A_30 = arith.constant 0 : i32
    %dma_start3A_31 = tpu.memref_slice %arg4[%dma_start3A_29, %dma_start3A_30] : memref<17x128xf32, #tpu.memory_space<hbm>> -> memref<17x128xf32, #tpu.memory_space<hbm>>
    tpu.enqueue_indirect_dma source(%dma_start3A_31 : memref<17x128xf32, #tpu.memory_space<hbm>>) target(%dma_start3A_25 : memref<128x128xf32, #tpu.memory_space<vmem>>) offsets(%dma_start3A_28 : memref<128xi32, #tpu.memory_space<vmem>>) semaphore(%arg8 : memref<!tpu.dma_semaphore, #tpu.memory_space<semaphore_mem>>) {add = true}
    %dma_start3A_32 = arith.constant 3 : i32
    %dma_start3A_33 = arith.constant 384 : i32
    %dma_start3A_34 = arith.constant 0 : i32
    %dma_start3A_35 = tpu.memref_slice %arg7[%dma_start3A_33, %dma_start3A_34] : memref<512x128xf32, #tpu.memory_space<vmem>> -> memref<128x128xf32, #tpu.memory_space<vmem>>
    %dma_start3A_36 = arith.constant 0 : i32
    %dma_start3A_37 = tpu.memref_slice %arg6[%dma_start3A_32, %dma_start3A_36] : memref<16x128xi32, #tpu.memory_space<vmem>> -> memref<1x128xi32, #tpu.memory_space<vmem>>
    %dma_start3A_38 = tpu.memref_squeeze %dma_start3A_37 : memref<1x128xi32, #tpu.memory_space<vmem>> -> memref<128xi32, #tpu.memory_space<vmem>>
    %dma_start3A_39 = arith.constant 0 : i32
    %dma_start3A_40 = arith.constant 0 : i32
    %dma_start3A_41 = tpu.memref_slice %arg4[%dma_start3A_39, %dma_start3A_40] : memref<17x128xf32, #tpu.memory_space<hbm>> -> memref<17x128xf32, #tpu.memory_space<hbm>>
    tpu.enqueue_indirect_dma source(%dma_start3A_41 : memref<17x128xf32, #tpu.memory_space<hbm>>) target(%dma_start3A_35 : memref<128x128xf32, #tpu.memory_space<vmem>>) offsets(%dma_start3A_38 : memref<128xi32, #tpu.memory_space<vmem>>) semaphore(%arg8 : memref<!tpu.dma_semaphore, #tpu.memory_space<semaphore_mem>>) {add = true}
    %dma_start3A_42 = arith.constant 4 : i32
    %dma_start3A_43 = arith.constant 0 : i32
    %dma_start3A_44 = arith.constant 0 : i32
    %dma_start3A_45 = tpu.memref_slice %arg7[%dma_start3A_43, %dma_start3A_44] : memref<512x128xf32, #tpu.memory_space<vmem>> -> memref<128x128xf32, #tpu.memory_space<vmem>>
    %dma_start3A_46 = arith.constant 0 : i32
    %dma_start3A_47 = tpu.memref_slice %arg6[%dma_start3A_42, %dma_start3A_46] : memref<16x128xi32, #tpu.memory_space<vmem>> -> memref<1x128xi32, #tpu.memory_space<vmem>>
    %dma_start3A_48 = tpu.memref_squeeze %dma_start3A_47 : memref<1x128xi32, #tpu.memory_space<vmem>> -> memref<128xi32, #tpu.memory_space<vmem>>
    %dma_start3A_49 = arith.constant 0 : i32
    %dma_start3A_50 = arith.constant 0 : i32
    %dma_start3A_51 = tpu.memref_slice %arg4[%dma_start3A_49, %dma_start3A_50] : memref<17x128xf32, #tpu.memory_space<hbm>> -> memref<17x128xf32, #tpu.memory_space<hbm>>
    tpu.enqueue_indirect_dma source(%dma_start3A_51 : memref<17x128xf32, #tpu.memory_space<hbm>>) target(%dma_start3A_45 : memref<128x128xf32, #tpu.memory_space<vmem>>) offsets(%dma_start3A_48 : memref<128xi32, #tpu.memory_space<vmem>>) semaphore(%arg8 : memref<!tpu.dma_semaphore, #tpu.memory_space<semaphore_mem>>) {add = true}
    %dma_start3A_52 = arith.constant 5 : i32
    %dma_start3A_53 = arith.constant 128 : i32
    %dma_start3A_54 = arith.constant 0 : i32
    %dma_start3A_55 = tpu.memref_slice %arg7[%dma_start3A_53, %dma_start3A_54] : memref<512x128xf32, #tpu.memory_space<vmem>> -> memref<128x128xf32, #tpu.memory_space<vmem>>
    %dma_start3A_56 = arith.constant 0 : i32
    %dma_start3A_57 = tpu.memref_slice %arg6[%dma_start3A_52, %dma_start3A_56] : memref<16x128xi32, #tpu.memory_space<vmem>> -> memref<1x128xi32, #tpu.memory_space<vmem>>
    %dma_start3A_58 = tpu.memref_squeeze %dma_start3A_57 : memref<1x128xi32, #tpu.memory_space<vmem>> -> memref<128xi32, #tpu.memory_space<vmem>>
    %dma_start3A_59 = arith.constant 0 : i32
    %dma_start3A_60 = arith.constant 0 : i32
    %dma_start3A_61 = tpu.memref_slice %arg4[%dma_start3A_59, %dma_start3A_60] : memref<17x128xf32, #tpu.memory_space<hbm>> -> memref<17x128xf32, #tpu.memory_space<hbm>>
    tpu.enqueue_indirect_dma source(%dma_start3A_61 : memref<17x128xf32, #tpu.memory_space<hbm>>) target(%dma_start3A_55 : memref<128x128xf32, #tpu.memory_space<vmem>>) offsets(%dma_start3A_58 : memref<128xi32, #tpu.memory_space<vmem>>) semaphore(%arg8 : memref<!tpu.dma_semaphore, #tpu.memory_space<semaphore_mem>>) {add = true}
    %dma_start3A_62 = arith.constant 6 : i32
    %dma_start3A_63 = arith.constant 256 : i32
    %dma_start3A_64 = arith.constant 0 : i32
    %dma_start3A_65 = tpu.memref_slice %arg7[%dma_start3A_63, %dma_start3A_64] : memref<512x128xf32, #tpu.memory_space<vmem>> -> memref<128x128xf32, #tpu.memory_space<vmem>>
    %dma_start3A_66 = arith.constant 0 : i32
    %dma_start3A_67 = tpu.memref_slice %arg6[%dma_start3A_62, %dma_start3A_66] : memref<16x128xi32, #tpu.memory_space<vmem>> -> memref<1x128xi32, #tpu.memory_space<vmem>>
    %dma_start3A_68 = tpu.memref_squeeze %dma_start3A_67 : memref<1x128xi32, #tpu.memory_space<vmem>> -> memref<128xi32, #tpu.memory_space<vmem>>
    %dma_start3A_69 = arith.constant 0 : i32
    %dma_start3A_70 = arith.constant 0 : i32
    %dma_start3A_71 = tpu.memref_slice %arg4[%dma_start3A_69, %dma_start3A_70] : memref<17x128xf32, #tpu.memory_space<hbm>> -> memref<17x128xf32, #tpu.memory_space<hbm>>
    tpu.enqueue_indirect_dma source(%dma_start3A_71 : memref<17x128xf32, #tpu.memory_space<hbm>>) target(%dma_start3A_65 : memref<128x128xf32, #tpu.memory_space<vmem>>) offsets(%dma_start3A_68 : memref<128xi32, #tpu.memory_space<vmem>>) semaphore(%arg8 : memref<!tpu.dma_semaphore, #tpu.memory_space<semaphore_mem>>) {add = true}
    %dma_start3A_72 = arith.constant 7 : i32
    %dma_start3A_73 = arith.constant 384 : i32
    %dma_start3A_74 = arith.constant 0 : i32
    %dma_start3A_75 = tpu.memref_slice %arg7[%dma_start3A_73, %dma_start3A_74] : memref<512x128xf32, #tpu.memory_space<vmem>> -> memref<128x128xf32, #tpu.memory_space<vmem>>
    %dma_start3A_76 = arith.constant 0 : i32
    %dma_start3A_77 = tpu.memref_slice %arg6[%dma_start3A_72, %dma_start3A_76] : memref<16x128xi32, #tpu.memory_space<vmem>> -> memref<1x128xi32, #tpu.memory_space<vmem>>
    %dma_start3A_78 = tpu.memref_squeeze %dma_start3A_77 : memref<1x128xi32, #tpu.memory_space<vmem>> -> memref<128xi32, #tpu.memory_space<vmem>>
    %dma_start3A_79 = arith.constant 0 : i32
    %dma_start3A_80 = arith.constant 0 : i32
    %dma_start3A_81 = tpu.memref_slice %arg4[%dma_start3A_79, %dma_start3A_80] : memref<17x128xf32, #tpu.memory_space<hbm>> -> memref<17x128xf32, #tpu.memory_space<hbm>>
    tpu.enqueue_indirect_dma source(%dma_start3A_81 : memref<17x128xf32, #tpu.memory_space<hbm>>) target(%dma_start3A_75 : memref<128x128xf32, #tpu.memory_space<vmem>>) offsets(%dma_start3A_78 : memref<128xi32, #tpu.memory_space<vmem>>) semaphore(%arg8 : memref<!tpu.dma_semaphore, #tpu.memory_space<semaphore_mem>>) {add = true}
    %dma_start3A_82 = arith.constant 8 : i32
    %dma_start3A_83 = arith.constant 0 : i32
    %dma_start3A_84 = arith.constant 0 : i32
    %dma_start3A_85 = tpu.memref_slice %arg7[%dma_start3A_83, %dma_start3A_84] : memref<512x128xf32, #tpu.memory_space<vmem>> -> memref<128x128xf32, #tpu.memory_space<vmem>>
    %dma_start3A_86 = arith.constant 0 : i32
    %dma_start3A_87 = tpu.memref_slice %arg6[%dma_start3A_82, %dma_start3A_86] : memref<16x128xi32, #tpu.memory_space<vmem>> -> memref<1x128xi32, #tpu.memory_space<vmem>>
    %dma_start3A_88 = tpu.memref_squeeze %dma_start3A_87 : memref<1x128xi32, #tpu.memory_space<vmem>> -> memref<128xi32, #tpu.memory_space<vmem>>
    %dma_start3A_89 = arith.constant 0 : i32
    %dma_start3A_90 = arith.constant 0 : i32
    %dma_start3A_91 = tpu.memref_slice %arg4[%dma_start3A_89, %dma_start3A_90] : memref<17x128xf32, #tpu.memory_space<hbm>> -> memref<17x128xf32, #tpu.memory_space<hbm>>
    tpu.enqueue_indirect_dma source(%dma_start3A_91 : memref<17x128xf32, #tpu.memory_space<hbm>>) target(%dma_start3A_85 : memref<128x128xf32, #tpu.memory_space<vmem>>) offsets(%dma_start3A_88 : memref<128xi32, #tpu.memory_space<vmem>>) semaphore(%arg8 : memref<!tpu.dma_semaphore, #tpu.memory_space<semaphore_mem>>) {add = true}
    %dma_start3A_92 = arith.constant 9 : i32
    %dma_start3A_93 = arith.constant 128 : i32
    %dma_start3A_94 = arith.constant 0 : i32
    %dma_start3A_95 = tpu.memref_slice %arg7[%dma_start3A_93, %dma_start3A_94] : memref<512x128xf32, #tpu.memory_space<vmem>> -> memref<128x128xf32, #tpu.memory_space<vmem>>
    %dma_start3A_96 = arith.constant 0 : i32
    %dma_start3A_97 = tpu.memref_slice %arg6[%dma_start3A_92, %dma_start3A_96] : memref<16x128xi32, #tpu.memory_space<vmem>> -> memref<1x128xi32, #tpu.memory_space<vmem>>
    %dma_start3A_98 = tpu.memref_squeeze %dma_start3A_97 : memref<1x128xi32, #tpu.memory_space<vmem>> -> memref<128xi32, #tpu.memory_space<vmem>>
    %dma_start3A_99 = arith.constant 0 : i32
    %dma_start3A_100 = arith.constant 0 : i32
    %dma_start3A_101 = tpu.memref_slice %arg4[%dma_start3A_99, %dma_start3A_100] : memref<17x128xf32, #tpu.memory_space<hbm>> -> memref<17x128xf32, #tpu.memory_space<hbm>>
    tpu.enqueue_indirect_dma source(%dma_start3A_101 : memref<17x128xf32, #tpu.memory_space<hbm>>) target(%dma_start3A_95 : memref<128x128xf32, #tpu.memory_space<vmem>>) offsets(%dma_start3A_98 : memref<128xi32, #tpu.memory_space<vmem>>) semaphore(%arg8 : memref<!tpu.dma_semaphore, #tpu.memory_space<semaphore_mem>>) {add = true}
    %dma_start3A_102 = arith.constant 10 : i32
    %dma_start3A_103 = arith.constant 256 : i32
    %dma_start3A_104 = arith.constant 0 : i32
    %dma_start3A_105 = tpu.memref_slice %arg7[%dma_start3A_103, %dma_start3A_104] : memref<512x128xf32, #tpu.memory_space<vmem>> -> memref<128x128xf32, #tpu.memory_space<vmem>>
    %dma_start3A_106 = arith.constant 0 : i32
    %dma_start3A_107 = tpu.memref_slice %arg6[%dma_start3A_102, %dma_start3A_106] : memref<16x128xi32, #tpu.memory_space<vmem>> -> memref<1x128xi32, #tpu.memory_space<vmem>>
    %dma_start3A_108 = tpu.memref_squeeze %dma_start3A_107 : memref<1x128xi32, #tpu.memory_space<vmem>> -> memref<128xi32, #tpu.memory_space<vmem>>
    %dma_start3A_109 = arith.constant 0 : i32
    %dma_start3A_110 = arith.constant 0 : i32
    %dma_start3A_111 = tpu.memref_slice %arg4[%dma_start3A_109, %dma_start3A_110] : memref<17x128xf32, #tpu.memory_space<hbm>> -> memref<17x128xf32, #tpu.memory_space<hbm>>
    tpu.enqueue_indirect_dma source(%dma_start3A_111 : memref<17x128xf32, #tpu.memory_space<hbm>>) target(%dma_start3A_105 : memref<128x128xf32, #tpu.memory_space<vmem>>) offsets(%dma_start3A_108 : memref<128xi32, #tpu.memory_space<vmem>>) semaphore(%arg8 : memref<!tpu.dma_semaphore, #tpu.memory_space<semaphore_mem>>) {add = true}
    %dma_start3A_112 = arith.constant 11 : i32
    %dma_start3A_113 = arith.constant 384 : i32
    %dma_start3A_114 = arith.constant 0 : i32
    %dma_start3A_115 = tpu.memref_slice %arg7[%dma_start3A_113, %dma_start3A_114] : memref<512x128xf32, #tpu.memory_space<vmem>> -> memref<128x128xf32, #tpu.memory_space<vmem>>
    %dma_start3A_116 = arith.constant 0 : i32
    %dma_start3A_117 = tpu.memref_slice %arg6[%dma_start3A_112, %dma_start3A_116] : memref<16x128xi32, #tpu.memory_space<vmem>> -> memref<1x128xi32, #tpu.memory_space<vmem>>
    %dma_start3A_118 = tpu.memref_squeeze %dma_start3A_117 : memref<1x128xi32, #tpu.memory_space<vmem>> -> memref<128xi32, #tpu.memory_space<vmem>>
    %dma_start3A_119 = arith.constant 0 : i32
    %dma_start3A_120 = arith.constant 0 : i32
    %dma_start3A_121 = tpu.memref_slice %arg4[%dma_start3A_119, %dma_start3A_120] : memref<17x128xf32, #tpu.memory_space<hbm>> -> memref<17x128xf32, #tpu.memory_space<hbm>>
    tpu.enqueue_indirect_dma source(%dma_start3A_121 : memref<17x128xf32, #tpu.memory_space<hbm>>) target(%dma_start3A_115 : memref<128x128xf32, #tpu.memory_space<vmem>>) offsets(%dma_start3A_118 : memref<128xi32, #tpu.memory_space<vmem>>) semaphore(%arg8 : memref<!tpu.dma_semaphore, #tpu.memory_space<semaphore_mem>>) {add = true}
    %dma_start3A_122 = arith.constant 12 : i32
    %dma_start3A_123 = arith.constant 0 : i32
    %dma_start3A_124 = arith.constant 0 : i32
    %dma_start3A_125 = tpu.memref_slice %arg7[%dma_start3A_123, %dma_start3A_124] : memref<512x128xf32, #tpu.memory_space<vmem>> -> memref<128x128xf32, #tpu.memory_space<vmem>>
    %dma_start3A_126 = arith.constant 0 : i32
    %dma_start3A_127 = tpu.memref_slice %arg6[%dma_start3A_122, %dma_start3A_126] : memref<16x128xi32, #tpu.memory_space<vmem>> -> memref<1x128xi32, #tpu.memory_space<vmem>>
    %dma_start3A_128 = tpu.memref_squeeze %dma_start3A_127 : memref<1x128xi32, #tpu.memory_space<vmem>> -> memref<128xi32, #tpu.memory_space<vmem>>
    %dma_start3A_129 = arith.constant 0 : i32
    %dma_start3A_130 = arith.constant 0 : i32
    %dma_start3A_131 = tpu.memref_slice %arg4[%dma_start3A_129, %dma_start3A_130] : memref<17x128xf32, #tpu.memory_space<hbm>> -> memref<17x128xf32, #tpu.memory_space<hbm>>
    tpu.enqueue_indirect_dma source(%dma_start3A_131 : memref<17x128xf32, #tpu.memory_space<hbm>>) target(%dma_start3A_125 : memref<128x128xf32, #tpu.memory_space<vmem>>) offsets(%dma_start3A_128 : memref<128xi32, #tpu.memory_space<vmem>>) semaphore(%arg8 : memref<!tpu.dma_semaphore, #tpu.memory_space<semaphore_mem>>) {add = true}
    %dma_start3A_132 = arith.constant 13 : i32
    %dma_start3A_133 = arith.constant 128 : i32
    %dma_start3A_134 = arith.constant 0 : i32
    %dma_start3A_135 = tpu.memref_slice %arg7[%dma_start3A_133, %dma_start3A_134] : memref<512x128xf32, #tpu.memory_space<vmem>> -> memref<128x128xf32, #tpu.memory_space<vmem>>
    %dma_start3A_136 = arith.constant 0 : i32
    %dma_start3A_137 = tpu.memref_slice %arg6[%dma_start3A_132, %dma_start3A_136] : memref<16x128xi32, #tpu.memory_space<vmem>> -> memref<1x128xi32, #tpu.memory_space<vmem>>
    %dma_start3A_138 = tpu.memref_squeeze %dma_start3A_137 : memref<1x128xi32, #tpu.memory_space<vmem>> -> memref<128xi32, #tpu.memory_space<vmem>>
    %dma_start3A_139 = arith.constant 0 : i32
    %dma_start3A_140 = arith.constant 0 : i32
    %dma_start3A_141 = tpu.memref_slice %arg4[%dma_start3A_139, %dma_start3A_140] : memref<17x128xf32, #tpu.memory_space<hbm>> -> memref<17x128xf32, #tpu.memory_space<hbm>>
    tpu.enqueue_indirect_dma source(%dma_start3A_141 : memref<17x128xf32, #tpu.memory_space<hbm>>) target(%dma_start3A_135 : memref<128x128xf32, #tpu.memory_space<vmem>>) offsets(%dma_start3A_138 : memref<128xi32, #tpu.memory_space<vmem>>) semaphore(%arg8 : memref<!tpu.dma_semaphore, #tpu.memory_space<semaphore_mem>>) {add = true}
    %dma_start3A_142 = arith.constant 14 : i32
    %dma_start3A_143 = arith.constant 256 : i32
    %dma_start3A_144 = arith.constant 0 : i32
    %dma_start3A_145 = tpu.memref_slice %arg7[%dma_start3A_143, %dma_start3A_144] : memref<512x128xf32, #tpu.memory_space<vmem>> -> memref<128x128xf32, #tpu.memory_space<vmem>>
    %dma_start3A_146 = arith.constant 0 : i32
    %dma_start3A_147 = tpu.memref_slice %arg6[%dma_start3A_142, %dma_start3A_146] : memref<16x128xi32, #tpu.memory_space<vmem>> -> memref<1x128xi32, #tpu.memory_space<vmem>>
    %dma_start3A_148 = tpu.memref_squeeze %dma_start3A_147 : memref<1x128xi32, #tpu.memory_space<vmem>> -> memref<128xi32, #tpu.memory_space<vmem>>
    %dma_start3A_149 = arith.constant 0 : i32
    %dma_start3A_150 = arith.constant 0 : i32
    %dma_start3A_151 = tpu.memref_slice %arg4[%dma_start3A_149, %dma_start3A_150] : memref<17x128xf32, #tpu.memory_space<hbm>> -> memref<17x128xf32, #tpu.memory_space<hbm>>
    tpu.enqueue_indirect_dma source(%dma_start3A_151 : memref<17x128xf32, #tpu.memory_space<hbm>>) target(%dma_start3A_145 : memref<128x128xf32, #tpu.memory_space<vmem>>) offsets(%dma_start3A_148 : memref<128xi32, #tpu.memory_space<vmem>>) semaphore(%arg8 : memref<!tpu.dma_semaphore, #tpu.memory_space<semaphore_mem>>) {add = true}
    %dma_start3A_152 = arith.constant 15 : i32
    %dma_start3A_153 = arith.constant 384 : i32
    %dma_start3A_154 = arith.constant 0 : i32
    %dma_start3A_155 = tpu.memref_slice %arg7[%dma_start3A_153, %dma_start3A_154] : memref<512x128xf32, #tpu.memory_space<vmem>> -> memref<128x128xf32, #tpu.memory_space<vmem>>
    %dma_start3A_156 = arith.constant 0 : i32
    %dma_start3A_157 = tpu.memref_slice %arg6[%dma_start3A_152, %dma_start3A_156] : memref<16x128xi32, #tpu.memory_space<vmem>> -> memref<1x128xi32, #tpu.memory_space<vmem>>
    %dma_start3A_158 = tpu.memref_squeeze %dma_start3A_157 : memref<1x128xi32, #tpu.memory_space<vmem>> -> memref<128xi32, #tpu.memory_space<vmem>>
    %dma_start3A_159 = arith.constant 0 : i32
    %dma_start3A_160 = arith.constant 0 : i32
    %dma_start3A_161 = tpu.memref_slice %arg4[%dma_start3A_159, %dma_start3A_160] : memref<17x128xf32, #tpu.memory_space<hbm>> -> memref<17x128xf32, #tpu.memory_space<hbm>>
    tpu.enqueue_indirect_dma source(%dma_start3A_161 : memref<17x128xf32, #tpu.memory_space<hbm>>) target(%dma_start3A_155 : memref<128x128xf32, #tpu.memory_space<vmem>>) offsets(%dma_start3A_158 : memref<128xi32, #tpu.memory_space<vmem>>) semaphore(%arg8 : memref<!tpu.dma_semaphore, #tpu.memory_space<semaphore_mem>>) {add = true}
    %dma_wait3A = arith.constant 0 : i32
    %dma_wait3A_162 = arith.constant 0 : i32
    %dma_wait3A_163 = arith.constant 0 : i32
    %dma_wait3A_164 = tpu.memref_slice %arg7[%dma_wait3A_162, %dma_wait3A_163] : memref<512x128xf32, #tpu.memory_space<vmem>> -> memref<128x128xf32, #tpu.memory_space<vmem>>
    %dma_wait3A_165 = arith.constant 0 : i32
    %dma_wait3A_166 = tpu.memref_slice %arg6[%dma_wait3A, %dma_wait3A_165] : memref<16x128xi32, #tpu.memory_space<vmem>> -> memref<1x128xi32, #tpu.memory_space<vmem>>
    %dma_wait3A_167 = tpu.memref_squeeze %dma_wait3A_166 : memref<1x128xi32, #tpu.memory_space<vmem>> -> memref<128xi32, #tpu.memory_space<vmem>>
    %dma_wait3A_168 = arith.constant 0 : i32
    %dma_wait3A_169 = arith.constant 0 : i32
    %dma_wait3A_170 = tpu.memref_slice %arg4[%dma_wait3A_168, %dma_wait3A_169] : memref<17x128xf32, #tpu.memory_space<hbm>> -> memref<17x128xf32, #tpu.memory_space<hbm>>
    tpu.wait_indirect_dma semaphore(%arg8 : memref<!tpu.dma_semaphore, #tpu.memory_space<semaphore_mem>>) src(%dma_wait3A_170 : memref<17x128xf32, #tpu.memory_space<hbm>>) dst(%dma_wait3A_164 : memref<128x128xf32, #tpu.memory_space<vmem>>)
    %dma_wait3A_171 = arith.constant 1 : i32
    %dma_wait3A_172 = arith.constant 128 : i32
    %dma_wait3A_173 = arith.constant 0 : i32
    %dma_wait3A_174 = tpu.memref_slice %arg7[%dma_wait3A_172, %dma_wait3A_173] : memref<512x128xf32, #tpu.memory_space<vmem>> -> memref<128x128xf32, #tpu.memory_space<vmem>>
    %dma_wait3A_175 = arith.constant 0 : i32
    %dma_wait3A_176 = tpu.memref_slice %arg6[%dma_wait3A_171, %dma_wait3A_175] : memref<16x128xi32, #tpu.memory_space<vmem>> -> memref<1x128xi32, #tpu.memory_space<vmem>>
    %dma_wait3A_177 = tpu.memref_squeeze %dma_wait3A_176 : memref<1x128xi32, #tpu.memory_space<vmem>> -> memref<128xi32, #tpu.memory_space<vmem>>
    %dma_wait3A_178 = arith.constant 0 : i32
    %dma_wait3A_179 = arith.constant 0 : i32
    %dma_wait3A_180 = tpu.memref_slice %arg4[%dma_wait3A_178, %dma_wait3A_179] : memref<17x128xf32, #tpu.memory_space<hbm>> -> memref<17x128xf32, #tpu.memory_space<hbm>>
    tpu.wait_indirect_dma semaphore(%arg8 : memref<!tpu.dma_semaphore, #tpu.memory_space<semaphore_mem>>) src(%dma_wait3A_180 : memref<17x128xf32, #tpu.memory_space<hbm>>) dst(%dma_wait3A_174 : memref<128x128xf32, #tpu.memory_space<vmem>>)
    %dma_wait3A_181 = arith.constant 2 : i32
    %dma_wait3A_182 = arith.constant 256 : i32
    %dma_wait3A_183 = arith.constant 0 : i32
    %dma_wait3A_184 = tpu.memref_slice %arg7[%dma_wait3A_182, %dma_wait3A_183] : memref<512x128xf32, #tpu.memory_space<vmem>> -> memref<128x128xf32, #tpu.memory_space<vmem>>
    %dma_wait3A_185 = arith.constant 0 : i32
    %dma_wait3A_186 = tpu.memref_slice %arg6[%dma_wait3A_181, %dma_wait3A_185] : memref<16x128xi32, #tpu.memory_space<vmem>> -> memref<1x128xi32, #tpu.memory_space<vmem>>
    %dma_wait3A_187 = tpu.memref_squeeze %dma_wait3A_186 : memref<1x128xi32, #tpu.memory_space<vmem>> -> memref<128xi32, #tpu.memory_space<vmem>>
    %dma_wait3A_188 = arith.constant 0 : i32
    %dma_wait3A_189 = arith.constant 0 : i32
    %dma_wait3A_190 = tpu.memref_slice %arg4[%dma_wait3A_188, %dma_wait3A_189] : memref<17x128xf32, #tpu.memory_space<hbm>> -> memref<17x128xf32, #tpu.memory_space<hbm>>
    tpu.wait_indirect_dma semaphore(%arg8 : memref<!tpu.dma_semaphore, #tpu.memory_space<semaphore_mem>>) src(%dma_wait3A_190 : memref<17x128xf32, #tpu.memory_space<hbm>>) dst(%dma_wait3A_184 : memref<128x128xf32, #tpu.memory_space<vmem>>)
    %dma_wait3A_191 = arith.constant 3 : i32
    %dma_wait3A_192 = arith.constant 384 : i32
    %dma_wait3A_193 = arith.constant 0 : i32
    %dma_wait3A_194 = tpu.memref_slice %arg7[%dma_wait3A_192, %dma_wait3A_193] : memref<512x128xf32, #tpu.memory_space<vmem>> -> memref<128x128xf32, #tpu.memory_space<vmem>>
    %dma_wait3A_195 = arith.constant 0 : i32
    %dma_wait3A_196 = tpu.memref_slice %arg6[%dma_wait3A_191, %dma_wait3A_195] : memref<16x128xi32, #tpu.memory_space<vmem>> -> memref<1x128xi32, #tpu.memory_space<vmem>>
    %dma_wait3A_197 = tpu.memref_squeeze %dma_wait3A_196 : memref<1x128xi32, #tpu.memory_space<vmem>> -> memref<128xi32, #tpu.memory_space<vmem>>
    %dma_wait3A_198 = arith.constant 0 : i32
    %dma_wait3A_199 = arith.constant 0 : i32
    %dma_wait3A_200 = tpu.memref_slice %arg4[%dma_wait3A_198, %dma_wait3A_199] : memref<17x128xf32, #tpu.memory_space<hbm>> -> memref<17x128xf32, #tpu.memory_space<hbm>>
    tpu.wait_indirect_dma semaphore(%arg8 : memref<!tpu.dma_semaphore, #tpu.memory_space<semaphore_mem>>) src(%dma_wait3A_200 : memref<17x128xf32, #tpu.memory_space<hbm>>) dst(%dma_wait3A_194 : memref<128x128xf32, #tpu.memory_space<vmem>>)
    %dma_wait3A_201 = arith.constant 4 : i32
    %dma_wait3A_202 = arith.constant 0 : i32
    %dma_wait3A_203 = arith.constant 0 : i32
    %dma_wait3A_204 = tpu.memref_slice %arg7[%dma_wait3A_202, %dma_wait3A_203] : memref<512x128xf32, #tpu.memory_space<vmem>> -> memref<128x128xf32, #tpu.memory_space<vmem>>
    %dma_wait3A_205 = arith.constant 0 : i32
    %dma_wait3A_206 = tpu.memref_slice %arg6[%dma_wait3A_201, %dma_wait3A_205] : memref<16x128xi32, #tpu.memory_space<vmem>> -> memref<1x128xi32, #tpu.memory_space<vmem>>
    %dma_wait3A_207 = tpu.memref_squeeze %dma_wait3A_206 : memref<1x128xi32, #tpu.memory_space<vmem>> -> memref<128xi32, #tpu.memory_space<vmem>>
    %dma_wait3A_208 = arith.constant 0 : i32
    %dma_wait3A_209 = arith.constant 0 : i32
    %dma_wait3A_210 = tpu.memref_slice %arg4[%dma_wait3A_208, %dma_wait3A_209] : memref<17x128xf32, #tpu.memory_space<hbm>> -> memref<17x128xf32, #tpu.memory_space<hbm>>
    tpu.wait_indirect_dma semaphore(%arg8 : memref<!tpu.dma_semaphore, #tpu.memory_space<semaphore_mem>>) src(%dma_wait3A_210 : memref<17x128xf32, #tpu.memory_space<hbm>>) dst(%dma_wait3A_204 : memref<128x128xf32, #tpu.memory_space<vmem>>)
    %dma_wait3A_211 = arith.constant 5 : i32
    %dma_wait3A_212 = arith.constant 128 : i32
    %dma_wait3A_213 = arith.constant 0 : i32
    %dma_wait3A_214 = tpu.memref_slice %arg7[%dma_wait3A_212, %dma_wait3A_213] : memref<512x128xf32, #tpu.memory_space<vmem>> -> memref<128x128xf32, #tpu.memory_space<vmem>>
    %dma_wait3A_215 = arith.constant 0 : i32
    %dma_wait3A_216 = tpu.memref_slice %arg6[%dma_wait3A_211, %dma_wait3A_215] : memref<16x128xi32, #tpu.memory_space<vmem>> -> memref<1x128xi32, #tpu.memory_space<vmem>>
    %dma_wait3A_217 = tpu.memref_squeeze %dma_wait3A_216 : memref<1x128xi32, #tpu.memory_space<vmem>> -> memref<128xi32, #tpu.memory_space<vmem>>
    %dma_wait3A_218 = arith.constant 0 : i32
    %dma_wait3A_219 = arith.constant 0 : i32
    %dma_wait3A_220 = tpu.memref_slice %arg4[%dma_wait3A_218, %dma_wait3A_219] : memref<17x128xf32, #tpu.memory_space<hbm>> -> memref<17x128xf32, #tpu.memory_space<hbm>>
    tpu.wait_indirect_dma semaphore(%arg8 : memref<!tpu.dma_semaphore, #tpu.memory_space<semaphore_mem>>) src(%dma_wait3A_220 : memref<17x128xf32, #tpu.memory_space<hbm>>) dst(%dma_wait3A_214 : memref<128x128xf32, #tpu.memory_space<vmem>>)
    %dma_wait3A_221 = arith.constant 6 : i32
    %dma_wait3A_222 = arith.constant 256 : i32
    %dma_wait3A_223 = arith.constant 0 : i32
    %dma_wait3A_224 = tpu.memref_slice %arg7[%dma_wait3A_222, %dma_wait3A_223] : memref<512x128xf32, #tpu.memory_space<vmem>> -> memref<128x128xf32, #tpu.memory_space<vmem>>
    %dma_wait3A_225 = arith.constant 0 : i32
    %dma_wait3A_226 = tpu.memref_slice %arg6[%dma_wait3A_221, %dma_wait3A_225] : memref<16x128xi32, #tpu.memory_space<vmem>> -> memref<1x128xi32, #tpu.memory_space<vmem>>
    %dma_wait3A_227 = tpu.memref_squeeze %dma_wait3A_226 : memref<1x128xi32, #tpu.memory_space<vmem>> -> memref<128xi32, #tpu.memory_space<vmem>>
    %dma_wait3A_228 = arith.constant 0 : i32
    %dma_wait3A_229 = arith.constant 0 : i32
    %dma_wait3A_230 = tpu.memref_slice %arg4[%dma_wait3A_228, %dma_wait3A_229] : memref<17x128xf32, #tpu.memory_space<hbm>> -> memref<17x128xf32, #tpu.memory_space<hbm>>
    tpu.wait_indirect_dma semaphore(%arg8 : memref<!tpu.dma_semaphore, #tpu.memory_space<semaphore_mem>>) src(%dma_wait3A_230 : memref<17x128xf32, #tpu.memory_space<hbm>>) dst(%dma_wait3A_224 : memref<128x128xf32, #tpu.memory_space<vmem>>)
    %dma_wait3A_231 = arith.constant 7 : i32
    %dma_wait3A_232 = arith.constant 384 : i32
    %dma_wait3A_233 = arith.constant 0 : i32
    %dma_wait3A_234 = tpu.memref_slice %arg7[%dma_wait3A_232, %dma_wait3A_233] : memref<512x128xf32, #tpu.memory_space<vmem>> -> memref<128x128xf32, #tpu.memory_space<vmem>>
    %dma_wait3A_235 = arith.constant 0 : i32
    %dma_wait3A_236 = tpu.memref_slice %arg6[%dma_wait3A_231, %dma_wait3A_235] : memref<16x128xi32, #tpu.memory_space<vmem>> -> memref<1x128xi32, #tpu.memory_space<vmem>>
    %dma_wait3A_237 = tpu.memref_squeeze %dma_wait3A_236 : memref<1x128xi32, #tpu.memory_space<vmem>> -> memref<128xi32, #tpu.memory_space<vmem>>
    %dma_wait3A_238 = arith.constant 0 : i32
    %dma_wait3A_239 = arith.constant 0 : i32
    %dma_wait3A_240 = tpu.memref_slice %arg4[%dma_wait3A_238, %dma_wait3A_239] : memref<17x128xf32, #tpu.memory_space<hbm>> -> memref<17x128xf32, #tpu.memory_space<hbm>>
    tpu.wait_indirect_dma semaphore(%arg8 : memref<!tpu.dma_semaphore, #tpu.memory_space<semaphore_mem>>) src(%dma_wait3A_240 : memref<17x128xf32, #tpu.memory_space<hbm>>) dst(%dma_wait3A_234 : memref<128x128xf32, #tpu.memory_space<vmem>>)
    %dma_wait3A_241 = arith.constant 8 : i32
    %dma_wait3A_242 = arith.constant 0 : i32
    %dma_wait3A_243 = arith.constant 0 : i32
    %dma_wait3A_244 = tpu.memref_slice %arg7[%dma_wait3A_242, %dma_wait3A_243] : memref<512x128xf32, #tpu.memory_space<vmem>> -> memref<128x128xf32, #tpu.memory_space<vmem>>
    %dma_wait3A_245 = arith.constant 0 : i32
    %dma_wait3A_246 = tpu.memref_slice %arg6[%dma_wait3A_241, %dma_wait3A_245] : memref<16x128xi32, #tpu.memory_space<vmem>> -> memref<1x128xi32, #tpu.memory_space<vmem>>
    %dma_wait3A_247 = tpu.memref_squeeze %dma_wait3A_246 : memref<1x128xi32, #tpu.memory_space<vmem>> -> memref<128xi32, #tpu.memory_space<vmem>>
    %dma_wait3A_248 = arith.constant 0 : i32
    %dma_wait3A_249 = arith.constant 0 : i32
    %dma_wait3A_250 = tpu.memref_slice %arg4[%dma_wait3A_248, %dma_wait3A_249] : memref<17x128xf32, #tpu.memory_space<hbm>> -> memref<17x128xf32, #tpu.memory_space<hbm>>
    tpu.wait_indirect_dma semaphore(%arg8 : memref<!tpu.dma_semaphore, #tpu.memory_space<semaphore_mem>>) src(%dma_wait3A_250 : memref<17x128xf32, #tpu.memory_space<hbm>>) dst(%dma_wait3A_244 : memref<128x128xf32, #tpu.memory_space<vmem>>)
    %dma_wait3A_251 = arith.constant 9 : i32
    %dma_wait3A_252 = arith.constant 128 : i32
    %dma_wait3A_253 = arith.constant 0 : i32
    %dma_wait3A_254 = tpu.memref_slice %arg7[%dma_wait3A_252, %dma_wait3A_253] : memref<512x128xf32, #tpu.memory_space<vmem>> -> memref<128x128xf32, #tpu.memory_space<vmem>>
    %dma_wait3A_255 = arith.constant 0 : i32
    %dma_wait3A_256 = tpu.memref_slice %arg6[%dma_wait3A_251, %dma_wait3A_255] : memref<16x128xi32, #tpu.memory_space<vmem>> -> memref<1x128xi32, #tpu.memory_space<vmem>>
    %dma_wait3A_257 = tpu.memref_squeeze %dma_wait3A_256 : memref<1x128xi32, #tpu.memory_space<vmem>> -> memref<128xi32, #tpu.memory_space<vmem>>
    %dma_wait3A_258 = arith.constant 0 : i32
    %dma_wait3A_259 = arith.constant 0 : i32
    %dma_wait3A_260 = tpu.memref_slice %arg4[%dma_wait3A_258, %dma_wait3A_259] : memref<17x128xf32, #tpu.memory_space<hbm>> -> memref<17x128xf32, #tpu.memory_space<hbm>>
    tpu.wait_indirect_dma semaphore(%arg8 : memref<!tpu.dma_semaphore, #tpu.memory_space<semaphore_mem>>) src(%dma_wait3A_260 : memref<17x128xf32, #tpu.memory_space<hbm>>) dst(%dma_wait3A_254 : memref<128x128xf32, #tpu.memory_space<vmem>>)
    %dma_wait3A_261 = arith.constant 10 : i32
    %dma_wait3A_262 = arith.constant 256 : i32
    %dma_wait3A_263 = arith.constant 0 : i32
    %dma_wait3A_264 = tpu.memref_slice %arg7[%dma_wait3A_262, %dma_wait3A_263] : memref<512x128xf32, #tpu.memory_space<vmem>> -> memref<128x128xf32, #tpu.memory_space<vmem>>
    %dma_wait3A_265 = arith.constant 0 : i32
    %dma_wait3A_266 = tpu.memref_slice %arg6[%dma_wait3A_261, %dma_wait3A_265] : memref<16x128xi32, #tpu.memory_space<vmem>> -> memref<1x128xi32, #tpu.memory_space<vmem>>
    %dma_wait3A_267 = tpu.memref_squeeze %dma_wait3A_266 : memref<1x128xi32, #tpu.memory_space<vmem>> -> memref<128xi32, #tpu.memory_space<vmem>>
    %dma_wait3A_268 = arith.constant 0 : i32
    %dma_wait3A_269 = arith.constant 0 : i32
    %dma_wait3A_270 = tpu.memref_slice %arg4[%dma_wait3A_268, %dma_wait3A_269] : memref<17x128xf32, #tpu.memory_space<hbm>> -> memref<17x128xf32, #tpu.memory_space<hbm>>
    tpu.wait_indirect_dma semaphore(%arg8 : memref<!tpu.dma_semaphore, #tpu.memory_space<semaphore_mem>>) src(%dma_wait3A_270 : memref<17x128xf32, #tpu.memory_space<hbm>>) dst(%dma_wait3A_264 : memref<128x128xf32, #tpu.memory_space<vmem>>)
    %dma_wait3A_271 = arith.constant 11 : i32
    %dma_wait3A_272 = arith.constant 384 : i32
    %dma_wait3A_273 = arith.constant 0 : i32
    %dma_wait3A_274 = tpu.memref_slice %arg7[%dma_wait3A_272, %dma_wait3A_273] : memref<512x128xf32, #tpu.memory_space<vmem>> -> memref<128x128xf32, #tpu.memory_space<vmem>>
    %dma_wait3A_275 = arith.constant 0 : i32
    %dma_wait3A_276 = tpu.memref_slice %arg6[%dma_wait3A_271, %dma_wait3A_275] : memref<16x128xi32, #tpu.memory_space<vmem>> -> memref<1x128xi32, #tpu.memory_space<vmem>>
    %dma_wait3A_277 = tpu.memref_squeeze %dma_wait3A_276 : memref<1x128xi32, #tpu.memory_space<vmem>> -> memref<128xi32, #tpu.memory_space<vmem>>
    %dma_wait3A_278 = arith.constant 0 : i32
    %dma_wait3A_279 = arith.constant 0 : i32
    %dma_wait3A_280 = tpu.memref_slice %arg4[%dma_wait3A_278, %dma_wait3A_279] : memref<17x128xf32, #tpu.memory_space<hbm>> -> memref<17x128xf32, #tpu.memory_space<hbm>>
    tpu.wait_indirect_dma semaphore(%arg8 : memref<!tpu.dma_semaphore, #tpu.memory_space<semaphore_mem>>) src(%dma_wait3A_280 : memref<17x128xf32, #tpu.memory_space<hbm>>) dst(%dma_wait3A_274 : memref<128x128xf32, #tpu.memory_space<vmem>>)
    %dma_wait3A_281 = arith.constant 12 : i32
    %dma_wait3A_282 = arith.constant 0 : i32
    %dma_wait3A_283 = arith.constant 0 : i32
    %dma_wait3A_284 = tpu.memref_slice %arg7[%dma_wait3A_282, %dma_wait3A_283] : memref<512x128xf32, #tpu.memory_space<vmem>> -> memref<128x128xf32, #tpu.memory_space<vmem>>
    %dma_wait3A_285 = arith.constant 0 : i32
    %dma_wait3A_286 = tpu.memref_slice %arg6[%dma_wait3A_281, %dma_wait3A_285] : memref<16x128xi32, #tpu.memory_space<vmem>> -> memref<1x128xi32, #tpu.memory_space<vmem>>
    %dma_wait3A_287 = tpu.memref_squeeze %dma_wait3A_286 : memref<1x128xi32, #tpu.memory_space<vmem>> -> memref<128xi32, #tpu.memory_space<vmem>>
    %dma_wait3A_288 = arith.constant 0 : i32
    %dma_wait3A_289 = arith.constant 0 : i32
    %dma_wait3A_290 = tpu.memref_slice %arg4[%dma_wait3A_288, %dma_wait3A_289] : memref<17x128xf32, #tpu.memory_space<hbm>> -> memref<17x128xf32, #tpu.memory_space<hbm>>
    tpu.wait_indirect_dma semaphore(%arg8 : memref<!tpu.dma_semaphore, #tpu.memory_space<semaphore_mem>>) src(%dma_wait3A_290 : memref<17x128xf32, #tpu.memory_space<hbm>>) dst(%dma_wait3A_284 : memref<128x128xf32, #tpu.memory_space<vmem>>)
    %dma_wait3A_291 = arith.constant 13 : i32
    %dma_wait3A_292 = arith.constant 128 : i32
    %dma_wait3A_293 = arith.constant 0 : i32
    %dma_wait3A_294 = tpu.memref_slice %arg7[%dma_wait3A_292, %dma_wait3A_293] : memref<512x128xf32, #tpu.memory_space<vmem>> -> memref<128x128xf32, #tpu.memory_space<vmem>>
    %dma_wait3A_295 = arith.constant 0 : i32
    %dma_wait3A_296 = tpu.memref_slice %arg6[%dma_wait3A_291, %dma_wait3A_295] : memref<16x128xi32, #tpu.memory_space<vmem>> -> memref<1x128xi32, #tpu.memory_space<vmem>>
    %dma_wait3A_297 = tpu.memref_squeeze %dma_wait3A_296 : memref<1x128xi32, #tpu.memory_space<vmem>> -> memref<128xi32, #tpu.memory_space<vmem>>
    %dma_wait3A_298 = arith.constant 0 : i32
    %dma_wait3A_299 = arith.constant 0 : i32
    %dma_wait3A_300 = tpu.memref_slice %arg4[%dma_wait3A_298, %dma_wait3A_299] : memref<17x128xf32, #tpu.memory_space<hbm>> -> memref<17x128xf32, #tpu.memory_space<hbm>>
    tpu.wait_indirect_dma semaphore(%arg8 : memref<!tpu.dma_semaphore, #tpu.memory_space<semaphore_mem>>) src(%dma_wait3A_300 : memref<17x128xf32, #tpu.memory_space<hbm>>) dst(%dma_wait3A_294 : memref<128x128xf32, #tpu.memory_space<vmem>>)
    %dma_wait3A_301 = arith.constant 14 : i32
    %dma_wait3A_302 = arith.constant 256 : i32
    %dma_wait3A_303 = arith.constant 0 : i32
    %dma_wait3A_304 = tpu.memref_slice %arg7[%dma_wait3A_302, %dma_wait3A_303] : memref<512x128xf32, #tpu.memory_space<vmem>> -> memref<128x128xf32, #tpu.memory_space<vmem>>
    %dma_wait3A_305 = arith.constant 0 : i32
    %dma_wait3A_306 = tpu.memref_slice %arg6[%dma_wait3A_301, %dma_wait3A_305] : memref<16x128xi32, #tpu.memory_space<vmem>> -> memref<1x128xi32, #tpu.memory_space<vmem>>
    %dma_wait3A_307 = tpu.memref_squeeze %dma_wait3A_306 : memref<1x128xi32, #tpu.memory_space<vmem>> -> memref<128xi32, #tpu.memory_space<vmem>>
    %dma_wait3A_308 = arith.constant 0 : i32
    %dma_wait3A_309 = arith.constant 0 : i32
    %dma_wait3A_310 = tpu.memref_slice %arg4[%dma_wait3A_308, %dma_wait3A_309] : memref<17x128xf32, #tpu.memory_space<hbm>> -> memref<17x128xf32, #tpu.memory_space<hbm>>
    tpu.wait_indirect_dma semaphore(%arg8 : memref<!tpu.dma_semaphore, #tpu.memory_space<semaphore_mem>>) src(%dma_wait3A_310 : memref<17x128xf32, #tpu.memory_space<hbm>>) dst(%dma_wait3A_304 : memref<128x128xf32, #tpu.memory_space<vmem>>)
    %dma_wait3A_311 = arith.constant 15 : i32
    %dma_wait3A_312 = arith.constant 384 : i32
    %dma_wait3A_313 = arith.constant 0 : i32
    %dma_wait3A_314 = tpu.memref_slice %arg7[%dma_wait3A_312, %dma_wait3A_313] : memref<512x128xf32, #tpu.memory_space<vmem>> -> memref<128x128xf32, #tpu.memory_space<vmem>>
    %dma_wait3A_315 = arith.constant 0 : i32
    %dma_wait3A_316 = tpu.memref_slice %arg6[%dma_wait3A_311, %dma_wait3A_315] : memref<16x128xi32, #tpu.memory_space<vmem>> -> memref<1x128xi32, #tpu.memory_space<vmem>>
    %dma_wait3A_317 = tpu.memref_squeeze %dma_wait3A_316 : memref<1x128xi32, #tpu.memory_space<vmem>> -> memref<128xi32, #tpu.memory_space<vmem>>
    %dma_wait3A_318 = arith.constant 0 : i32
    %dma_wait3A_319 = arith.constant 0 : i32
    %dma_wait3A_320 = tpu.memref_slice %arg4[%dma_wait3A_318, %dma_wait3A_319] : memref<17x128xf32, #tpu.memory_space<hbm>> -> memref<17x128xf32, #tpu.memory_space<hbm>>
    tpu.wait_indirect_dma semaphore(%arg8 : memref<!tpu.dma_semaphore, #tpu.memory_space<semaphore_mem>>) src(%dma_wait3A_320 : memref<17x128xf32, #tpu.memory_space<hbm>>) dst(%dma_wait3A_314 : memref<128x128xf32, #tpu.memory_space<vmem>>)
    "tpu.region"() ({
      %run_scoped3A = tpu.sem_alloc : memref<!tpu.dma_semaphore, #tpu.memory_space<semaphore_mem>>
      %dma_start3A_321 = arith.constant 0 : i32
      %dma_start3A_322 = tpu.memref_slice %arg5[%mul3A_2, %dma_start3A_321] : memref<16384x128xf32, #tpu.memory_space<hbm>> -> memref<512x128xf32, #tpu.memory_space<hbm>>
      %dma_start3A_323 = arith.constant 0 : i32
      %dma_start3A_324 = tpu.memref_slice %arg5[%mul3A_2, %dma_start3A_323] : memref<16384x128xf32, #tpu.memory_space<hbm>> -> memref<512x128xf32, #tpu.memory_space<hbm>>
      tpu.enqueue_dma source(%arg7 : memref<512x128xf32, #tpu.memory_space<vmem>>) target(%dma_start3A_324 : memref<512x128xf32, #tpu.memory_space<hbm>>) target_semaphore(%run_scoped3A : memref<!tpu.dma_semaphore, #tpu.memory_space<semaphore_mem>>)
      %dma_wait3A_325 = arith.constant 0 : i32
      %dma_wait3A_326 = tpu.memref_slice %arg5[%mul3A_2, %dma_wait3A_325] : memref<16384x128xf32, #tpu.memory_space<hbm>> -> memref<512x128xf32, #tpu.memory_space<hbm>>
      %dma_wait3A_327 = arith.constant 0 : i32
      %dma_wait3A_328 = tpu.memref_slice %arg5[%mul3A_2, %dma_wait3A_327] : memref<16384x128xf32, #tpu.memory_space<hbm>> -> memref<512x128xf32, #tpu.memory_space<hbm>>
      tpu.wait_dma2 semaphore(%run_scoped3A : memref<!tpu.dma_semaphore, #tpu.memory_space<semaphore_mem>>) src(%arg7 : memref<512x128xf32, #tpu.memory_space<vmem>>) dst(%dma_wait3A_328 : memref<512x128xf32, #tpu.memory_space<hbm>>)
      tpu.yield
    }) : () -> ()
    return
  }
}

module attributes {stable_mosaic.version = 14 : i64} {
  func.func @_tc_body(%arg0: i32, %arg1: memref<12288x8xbf16, #tpu.memory_space<vmem>>, %arg2: memref<512x8xbf16, #tpu.memory_space<vmem>>, %arg3: memref<8x128xf32, #tpu.memory_space<vmem>>, %arg4: memref<1x128xf32, #tpu.memory_space<vmem>>, %arg5: memref<128x256xf32, #tpu.memory_space<vmem>>, %arg6: memref<1x256xf32, #tpu.memory_space<vmem>>, %arg7: memref<256x256xf32, #tpu.memory_space<vmem>>, %arg8: memref<256x256xf32, #tpu.memory_space<vmem>>, %arg9: memref<1x256xf32, #tpu.memory_space<vmem>>, %arg10: memref<256x128xf32, #tpu.memory_space<vmem>>, %arg11: memref<1x128xf32, #tpu.memory_space<vmem>>, %arg12: memref<1x128xf32, #tpu.memory_space<vmem>>, %arg13: memref<1x128xf32, #tpu.memory_space<vmem>>, %arg14: memref<128x128xf32, #tpu.memory_space<vmem>>, %arg15: memref<1x128xf32, #tpu.memory_space<vmem>>, %arg16: memref<512x128xf32, #tpu.memory_space<vmem>>) attributes {dimension_semantics = [#tpu.dimension_semantics<arbitrary>], iteration_bounds = array<i64: 32>, scalar_prefetch = 0 : i64, scratch_operands = 0 : i64, tpu.core_type = #tpu.core_type<tc>, window_params = [{transform_indices = @transform_0, window_bounds = array<i64: 12288, 8>}, {transform_indices = @transform_1, window_bounds = array<i64: 512, 8>}, {pipeline_mode = #tpu.pipeline_mode<synchronous>, transform_indices = @transform_2, window_bounds = array<i64: 8, 128>}, {pipeline_mode = #tpu.pipeline_mode<synchronous>, transform_indices = @transform_3, window_bounds = array<i64: 1, 128>}, {pipeline_mode = #tpu.pipeline_mode<synchronous>, transform_indices = @transform_4, window_bounds = array<i64: 128, 256>}, {pipeline_mode = #tpu.pipeline_mode<synchronous>, transform_indices = @transform_5, window_bounds = array<i64: 1, 256>}, {pipeline_mode = #tpu.pipeline_mode<synchronous>, transform_indices = @transform_6, window_bounds = array<i64: 256, 256>}, {pipeline_mode = #tpu.pipeline_mode<synchronous>, transform_indices = @transform_7, window_bounds = array<i64: 256, 256>}, {pipeline_mode = #tpu.pipeline_mode<synchronous>, transform_indices = @transform_8, window_bounds = array<i64: 1, 256>}, {pipeline_mode = #tpu.pipeline_mode<synchronous>, transform_indices = @transform_9, window_bounds = array<i64: 256, 128>}, {pipeline_mode = #tpu.pipeline_mode<synchronous>, transform_indices = @transform_10, window_bounds = array<i64: 1, 128>}, {pipeline_mode = #tpu.pipeline_mode<synchronous>, transform_indices = @transform_11, window_bounds = array<i64: 1, 128>}, {pipeline_mode = #tpu.pipeline_mode<synchronous>, transform_indices = @transform_12, window_bounds = array<i64: 1, 128>}, {pipeline_mode = #tpu.pipeline_mode<synchronous>, transform_indices = @transform_13, window_bounds = array<i64: 128, 128>}, {pipeline_mode = #tpu.pipeline_mode<synchronous>, transform_indices = @transform_14, window_bounds = array<i64: 1, 128>}, {transform_indices = @transform_15, window_bounds = array<i64: 512, 128>}]} {
    %get3A = arith.constant 0 : index
    %get3A_0 = arith.constant 0 : index
    %get3A_1 = vector.load %arg1[%get3A, %get3A_0] : memref<12288x8xbf16, #tpu.memory_space<vmem>>, vector<12288x8xbf16>
    %slice3A = vector.extract_strided_slice %get3A_1 {offsets = [0, 6], sizes = [12288, 1], strides = [1, 1]} : vector<12288x8xbf16> to vector<12288x1xbf16>
    %broadcast_in_dim3A = arith.constant 1.000000e+00 : f32
    %broadcast_in_dim3A_2 = vector.broadcast %broadcast_in_dim3A : f32 to vector<1x256xf32>
    %convert_element_type3A = arith.truncf %broadcast_in_dim3A_2 : vector<1x256xf32> to vector<1x256xbf16>
    %dot_general3A = arith.constant dense<0.000000e+00> : vector<12288x256xf32>
    %dot_general3A_3 = tpu.matmul %slice3A, %convert_element_type3A, %dot_general3A {dimension_numbers = #tpu.dot_dimension_numbers<[1], [0], [0], [1], [0, 0, 1, 1], [], []>, transpose_lhs_hint = false} : vector<12288x1xbf16>, vector<1x256xbf16>, vector<12288x256xf32> -> vector<12288x256xf32>
    %get3A_4 = arith.constant 0 : index
    %get3A_5 = arith.constant 0 : index
    %get3A_6 = vector.load %arg3[%get3A_4, %get3A_5] : memref<8x128xf32, #tpu.memory_space<vmem>>, vector<8x128xf32>
    %convert_element_type3A_7 = arith.truncf %get3A_6 : vector<8x128xf32> to vector<8x128xbf16>
    %dot_general3A_8 = arith.constant dense<0.000000e+00> : vector<12288x128xf32>
    %dot_general3A_9 = tpu.matmul %get3A_1, %convert_element_type3A_7, %dot_general3A_8 {dimension_numbers = #tpu.dot_dimension_numbers<[1], [0], [0], [1], [0, 0, 1, 1], [], []>, transpose_lhs_hint = false} : vector<12288x8xbf16>, vector<8x128xbf16>, vector<12288x128xf32> -> vector<12288x128xf32>
    %get3A_10 = arith.constant 0 : index
    %get3A_11 = arith.constant 0 : index
    %get3A_12 = vector.load %arg4[%get3A_10, %get3A_11] : memref<1x128xf32, #tpu.memory_space<vmem>>, vector<1x128xf32>
    %add3A = vector.broadcast %get3A_12 : vector<1x128xf32> to vector<12288x128xf32>
    %add3A_13 = arith.addf %dot_general3A_9, %add3A : vector<12288x128xf32>
    %max3A = arith.constant 0.000000e+00 : f32
    %max3A_14 = vector.broadcast %max3A : f32 to vector<12288x128xf32>
    %max3A_15 = arith.maximumf %add3A_13, %max3A_14 : vector<12288x128xf32>
    %get3A_16 = arith.constant 0 : index
    %get3A_17 = arith.constant 0 : index
    %get3A_18 = vector.load %arg5[%get3A_16, %get3A_17] : memref<128x256xf32, #tpu.memory_space<vmem>>, vector<128x256xf32>
    %convert_element_type3A_19 = arith.truncf %max3A_15 : vector<12288x128xf32> to vector<12288x128xbf16>
    %convert_element_type3A_20 = arith.truncf %get3A_18 : vector<128x256xf32> to vector<128x256xbf16>
    %dot_general3A_21 = arith.constant dense<0.000000e+00> : vector<12288x256xf32>
    %dot_general3A_22 = tpu.matmul %convert_element_type3A_19, %convert_element_type3A_20, %dot_general3A_21 {dimension_numbers = #tpu.dot_dimension_numbers<[1], [0], [0], [1], [0, 0, 1, 1], [], []>, transpose_lhs_hint = false} : vector<12288x128xbf16>, vector<128x256xbf16>, vector<12288x256xf32> -> vector<12288x256xf32>
    %get3A_23 = arith.constant 0 : index
    %get3A_24 = arith.constant 0 : index
    %get3A_25 = vector.load %arg6[%get3A_23, %get3A_24] : memref<1x256xf32, #tpu.memory_space<vmem>>, vector<1x256xf32>
    %add3A_26 = vector.broadcast %get3A_25 : vector<1x256xf32> to vector<12288x256xf32>
    %add3A_27 = arith.addf %dot_general3A_22, %add3A_26 : vector<12288x256xf32>
    %mul3A = arith.mulf %add3A_27, %dot_general3A_3 : vector<12288x256xf32>
    %reshape3A = vector.shape_cast %mul3A : vector<12288x256xf32> to vector<512x24x256xf32>
    %reduce_max3A = arith.constant dense<0xFF800000> : vector<512x256xf32>
    %reduce_max3A_28 = vector.multi_reduction <maximumf>, %reshape3A, %reduce_max3A [1] : vector<512x24x256xf32> to vector<512x256xf32>
    %get3A_29 = arith.constant 0 : index
    %get3A_30 = arith.constant 0 : index
    %get3A_31 = vector.load %arg8[%get3A_29, %get3A_30] : memref<256x256xf32, #tpu.memory_space<vmem>>, vector<256x256xf32>
    %convert_element_type3A_32 = arith.truncf %reduce_max3A_28 : vector<512x256xf32> to vector<512x256xbf16>
    %convert_element_type3A_33 = arith.truncf %get3A_31 : vector<256x256xf32> to vector<256x256xbf16>
    %dot_general3A_34 = arith.constant dense<0.000000e+00> : vector<512x256xf32>
    %dot_general3A_35 = tpu.matmul %convert_element_type3A_32, %convert_element_type3A_33, %dot_general3A_34 {dimension_numbers = #tpu.dot_dimension_numbers<[1], [0], [0], [1], [0, 0, 1, 1], [], []>, transpose_lhs_hint = false} : vector<512x256xbf16>, vector<256x256xbf16>, vector<512x256xf32> -> vector<512x256xf32>
    %get3A_36 = arith.constant 0 : index
    %get3A_37 = arith.constant 0 : index
    %get3A_38 = vector.load %arg9[%get3A_36, %get3A_37] : memref<1x256xf32, #tpu.memory_space<vmem>>, vector<1x256xf32>
    %add3A_39 = vector.broadcast %get3A_38 : vector<1x256xf32> to vector<512x256xf32>
    %add3A_40 = arith.addf %dot_general3A_35, %add3A_39 : vector<512x256xf32>
    %get3A_41 = arith.constant 0 : index
    %get3A_42 = arith.constant 0 : index
    %get3A_43 = vector.load %arg7[%get3A_41, %get3A_42] : memref<256x256xf32, #tpu.memory_space<vmem>>, vector<256x256xf32>
    %convert_element_type3A_44 = arith.truncf %mul3A : vector<12288x256xf32> to vector<12288x256xbf16>
    %convert_element_type3A_45 = arith.truncf %get3A_43 : vector<256x256xf32> to vector<256x256xbf16>
    %dot_general3A_46 = arith.constant dense<0.000000e+00> : vector<12288x256xf32>
    %dot_general3A_47 = tpu.matmul %convert_element_type3A_44, %convert_element_type3A_45, %dot_general3A_46 {dimension_numbers = #tpu.dot_dimension_numbers<[1], [0], [0], [1], [0, 0, 1, 1], [], []>, transpose_lhs_hint = false} : vector<12288x256xbf16>, vector<256x256xbf16>, vector<12288x256xf32> -> vector<12288x256xf32>
    %reshape3A_48 = vector.shape_cast %dot_general3A_47 : vector<12288x256xf32> to vector<512x24x256xf32>
    %broadcast_in_dim3A_49 = vector.shape_cast %add3A_40 : vector<512x256xf32> to vector<512x1x256xf32>
    %add3A_50 = vector.broadcast %broadcast_in_dim3A_49 : vector<512x1x256xf32> to vector<512x24x256xf32>
    %add3A_51 = arith.addf %reshape3A_48, %add3A_50 : vector<512x24x256xf32>
    %max3A_52 = arith.constant 0.000000e+00 : f32
    %max3A_53 = vector.broadcast %max3A_52 : f32 to vector<512x24x256xf32>
    %max3A_54 = arith.maximumf %add3A_51, %max3A_53 : vector<512x24x256xf32>
    %reshape3A_55 = vector.shape_cast %max3A_54 : vector<512x24x256xf32> to vector<12288x256xf32>
    %get3A_56 = arith.constant 0 : index
    %get3A_57 = arith.constant 0 : index
    %get3A_58 = vector.load %arg10[%get3A_56, %get3A_57] : memref<256x128xf32, #tpu.memory_space<vmem>>, vector<256x128xf32>
    %convert_element_type3A_59 = arith.truncf %reshape3A_55 : vector<12288x256xf32> to vector<12288x256xbf16>
    %convert_element_type3A_60 = arith.truncf %get3A_58 : vector<256x128xf32> to vector<256x128xbf16>
    %dot_general3A_61 = arith.constant dense<0.000000e+00> : vector<12288x128xf32>
    %dot_general3A_62 = tpu.matmul %convert_element_type3A_59, %convert_element_type3A_60, %dot_general3A_61 {dimension_numbers = #tpu.dot_dimension_numbers<[1], [0], [0], [1], [0, 0, 1, 1], [], []>, transpose_lhs_hint = false} : vector<12288x256xbf16>, vector<256x128xbf16>, vector<12288x128xf32> -> vector<12288x128xf32>
    %get3A_63 = arith.constant 0 : index
    %get3A_64 = arith.constant 0 : index
    %get3A_65 = vector.load %arg11[%get3A_63, %get3A_64] : memref<1x128xf32, #tpu.memory_space<vmem>>, vector<1x128xf32>
    %add3A_66 = vector.broadcast %get3A_65 : vector<1x128xf32> to vector<12288x128xf32>
    %add3A_67 = arith.addf %dot_general3A_62, %add3A_66 : vector<12288x128xf32>
    %slice3A_68 = vector.extract_strided_slice %dot_general3A_3 {offsets = [0, 0], sizes = [12288, 128], strides = [1, 1]} : vector<12288x256xf32> to vector<12288x128xf32>
    %mul3A_69 = arith.mulf %add3A_67, %slice3A_68 : vector<12288x128xf32>
    %reshape3A_70 = vector.shape_cast %mul3A_69 : vector<12288x128xf32> to vector<512x24x128xf32>
    %reduce_max3A_71 = arith.constant dense<0xFF800000> : vector<512x128xf32>
    %reduce_max3A_72 = vector.multi_reduction <maximumf>, %reshape3A_70, %reduce_max3A_71 [1] : vector<512x24x128xf32> to vector<512x128xf32>
    %get3A_73 = arith.constant 0 : index
    %get3A_74 = arith.constant 0 : index
    %get3A_75 = vector.load %arg2[%get3A_73, %get3A_74] : memref<512x8xbf16, #tpu.memory_space<vmem>>, vector<512x8xbf16>
    %slice3A_76 = vector.extract_strided_slice %get3A_75 {offsets = [0, 0], sizes = [512, 1], strides = [1, 1]} : vector<512x8xbf16> to vector<512x1xbf16>
    %get3A_77 = arith.constant 0 : index
    %get3A_78 = arith.constant 0 : index
    %get3A_79 = vector.load %arg12[%get3A_77, %get3A_78] : memref<1x128xf32, #tpu.memory_space<vmem>>, vector<1x128xf32>
    %convert_element_type3A_80 = arith.truncf %get3A_79 : vector<1x128xf32> to vector<1x128xbf16>
    %dot_general3A_81 = arith.constant dense<0.000000e+00> : vector<512x128xf32>
    %dot_general3A_82 = tpu.matmul %slice3A_76, %convert_element_type3A_80, %dot_general3A_81 {dimension_numbers = #tpu.dot_dimension_numbers<[1], [0], [0], [1], [0, 0, 1, 1], [], []>, transpose_lhs_hint = false} : vector<512x1xbf16>, vector<1x128xbf16>, vector<512x128xf32> -> vector<512x128xf32>
    %get3A_83 = arith.constant 0 : index
    %get3A_84 = arith.constant 0 : index
    %get3A_85 = vector.load %arg13[%get3A_83, %get3A_84] : memref<1x128xf32, #tpu.memory_space<vmem>>, vector<1x128xf32>
    %add3A_86 = vector.broadcast %get3A_85 : vector<1x128xf32> to vector<512x128xf32>
    %add3A_87 = arith.addf %dot_general3A_82, %add3A_86 : vector<512x128xf32>
    %max3A_88 = arith.constant 0.000000e+00 : f32
    %max3A_89 = vector.broadcast %max3A_88 : f32 to vector<512x128xf32>
    %max3A_90 = arith.maximumf %add3A_87, %max3A_89 : vector<512x128xf32>
    %get3A_91 = arith.constant 0 : index
    %get3A_92 = arith.constant 0 : index
    %get3A_93 = vector.load %arg14[%get3A_91, %get3A_92] : memref<128x128xf32, #tpu.memory_space<vmem>>, vector<128x128xf32>
    %convert_element_type3A_94 = arith.truncf %max3A_90 : vector<512x128xf32> to vector<512x128xbf16>
    %convert_element_type3A_95 = arith.truncf %get3A_93 : vector<128x128xf32> to vector<128x128xbf16>
    %dot_general3A_96 = arith.constant dense<0.000000e+00> : vector<512x128xf32>
    %dot_general3A_97 = tpu.matmul %convert_element_type3A_94, %convert_element_type3A_95, %dot_general3A_96 {dimension_numbers = #tpu.dot_dimension_numbers<[1], [0], [0], [1], [0, 0, 1, 1], [], []>, transpose_lhs_hint = false} : vector<512x128xbf16>, vector<128x128xbf16>, vector<512x128xf32> -> vector<512x128xf32>
    %get3A_98 = arith.constant 0 : index
    %get3A_99 = arith.constant 0 : index
    %get3A_100 = vector.load %arg15[%get3A_98, %get3A_99] : memref<1x128xf32, #tpu.memory_space<vmem>>, vector<1x128xf32>
    %add3A_101 = vector.broadcast %get3A_100 : vector<1x128xf32> to vector<512x128xf32>
    %add3A_102 = arith.addf %dot_general3A_97, %add3A_101 : vector<512x128xf32>
    %slice3A_103 = vector.extract_strided_slice %get3A_75 {offsets = [0, 1], sizes = [512, 1], strides = [1, 1]} : vector<512x8xbf16> to vector<512x1xbf16>
    %broadcast_in_dim3A_104 = arith.constant 1.000000e+00 : f32
    %broadcast_in_dim3A_105 = vector.broadcast %broadcast_in_dim3A_104 : f32 to vector<1x128xf32>
    %convert_element_type3A_106 = arith.truncf %broadcast_in_dim3A_105 : vector<1x128xf32> to vector<1x128xbf16>
    %dot_general3A_107 = arith.constant dense<0.000000e+00> : vector<512x128xf32>
    %dot_general3A_108 = tpu.matmul %slice3A_103, %convert_element_type3A_106, %dot_general3A_107 {dimension_numbers = #tpu.dot_dimension_numbers<[1], [0], [0], [1], [0, 0, 1, 1], [], []>, transpose_lhs_hint = false} : vector<512x1xbf16>, vector<1x128xbf16>, vector<512x128xf32> -> vector<512x128xf32>
    %mul3A_109 = arith.mulf %dot_general3A_108, %add3A_102 : vector<512x128xf32>
    %add3A_110 = arith.addf %reduce_max3A_72, %mul3A_109 : vector<512x128xf32>
    %swap3A = arith.constant 0 : index
    %swap3A_111 = arith.constant 0 : index
    %swap3A_112 = vector.load %arg16[%swap3A, %swap3A_111] : memref<512x128xf32, #tpu.memory_space<vmem>>, vector<512x128xf32>
    tpu.vector_store %arg16[%swap3A, %swap3A_111], %add3A_110 {strides = array<i32>} : memref<512x128xf32, #tpu.memory_space<vmem>>, vector<512x128xf32>,
    return
  }
  func.func @transform_0(%arg0: i32) -> (i32, i32) {
    %c0_i32 = arith.constant 0 : i32
    %c0_i32_0 = arith.constant 0 : i32
    return %arg0, %c0_i32 : i32, i32
  }
  func.func @transform_1(%arg0: i32) -> (i32, i32) {
    %c0_i32 = arith.constant 0 : i32
    %c0_i32_0 = arith.constant 0 : i32
    return %arg0, %c0_i32 : i32, i32
  }
  func.func @transform_2(%arg0: i32) -> (i32, i32) {
    %c0_i32 = arith.constant 0 : i32
    %c0_i32_0 = arith.constant 0 : i32
    %c0_i32_1 = arith.constant 0 : i32
    return %c0_i32, %c0_i32_0 : i32, i32
  }
  func.func @transform_3(%arg0: i32) -> (i32, i32) {
    %c0_i32 = arith.constant 0 : i32
    %c0_i32_0 = arith.constant 0 : i32
    %c0_i32_1 = arith.constant 0 : i32
    return %c0_i32, %c0_i32_0 : i32, i32
  }
  func.func @transform_4(%arg0: i32) -> (i32, i32) {
    %c0_i32 = arith.constant 0 : i32
    %c0_i32_0 = arith.constant 0 : i32
    %c0_i32_1 = arith.constant 0 : i32
    return %c0_i32, %c0_i32_0 : i32, i32
  }
  func.func @transform_5(%arg0: i32) -> (i32, i32) {
    %c0_i32 = arith.constant 0 : i32
    %c0_i32_0 = arith.constant 0 : i32
    %c0_i32_1 = arith.constant 0 : i32
    return %c0_i32, %c0_i32_0 : i32, i32
  }
  func.func @transform_6(%arg0: i32) -> (i32, i32) {
    %c0_i32 = arith.constant 0 : i32
    %c0_i32_0 = arith.constant 0 : i32
    %c0_i32_1 = arith.constant 0 : i32
    return %c0_i32, %c0_i32_0 : i32, i32
  }
  func.func @transform_7(%arg0: i32) -> (i32, i32) {
    %c0_i32 = arith.constant 0 : i32
    %c0_i32_0 = arith.constant 0 : i32
    %c0_i32_1 = arith.constant 0 : i32
    return %c0_i32, %c0_i32_0 : i32, i32
  }
  func.func @transform_8(%arg0: i32) -> (i32, i32) {
    %c0_i32 = arith.constant 0 : i32
    %c0_i32_0 = arith.constant 0 : i32
    %c0_i32_1 = arith.constant 0 : i32
    return %c0_i32, %c0_i32_0 : i32, i32
  }
  func.func @transform_9(%arg0: i32) -> (i32, i32) {
    %c0_i32 = arith.constant 0 : i32
    %c0_i32_0 = arith.constant 0 : i32
    %c0_i32_1 = arith.constant 0 : i32
    return %c0_i32, %c0_i32_0 : i32, i32
  }
  func.func @transform_10(%arg0: i32) -> (i32, i32) {
    %c0_i32 = arith.constant 0 : i32
    %c0_i32_0 = arith.constant 0 : i32
    %c0_i32_1 = arith.constant 0 : i32
    return %c0_i32, %c0_i32_0 : i32, i32
  }
  func.func @transform_11(%arg0: i32) -> (i32, i32) {
    %c0_i32 = arith.constant 0 : i32
    %c0_i32_0 = arith.constant 0 : i32
    %c0_i32_1 = arith.constant 0 : i32
    return %c0_i32, %c0_i32_0 : i32, i32
  }
  func.func @transform_12(%arg0: i32) -> (i32, i32) {
    %c0_i32 = arith.constant 0 : i32
    %c0_i32_0 = arith.constant 0 : i32
    %c0_i32_1 = arith.constant 0 : i32
    return %c0_i32, %c0_i32_0 : i32, i32
  }
  func.func @transform_13(%arg0: i32) -> (i32, i32) {
    %c0_i32 = arith.constant 0 : i32
    %c0_i32_0 = arith.constant 0 : i32
    %c0_i32_1 = arith.constant 0 : i32
    return %c0_i32, %c0_i32_0 : i32, i32
  }
  func.func @transform_14(%arg0: i32) -> (i32, i32) {
    %c0_i32 = arith.constant 0 : i32
    %c0_i32_0 = arith.constant 0 : i32
    %c0_i32_1 = arith.constant 0 : i32
    return %c0_i32, %c0_i32_0 : i32, i32
  }
  func.func @transform_15(%arg0: i32) -> (i32, i32) {
    %c0_i32 = arith.constant 0 : i32
    %c0_i32_0 = arith.constant 0 : i32
    return %arg0, %c0_i32 : i32, i32
  }
}

</mosaic_0001>

<sc_bundles>
// kernel: kernel.4.cloned.1.call-start
scs
__scs_entry_jumppad:
0x0: {  	(pc) =	sbr.rel $0x88, $3  }
0x1: {  	(tag) =	ssettag $0x0;
	lr =	simm.s32 $0x1  }
0x2: {  	[smem:$0x3F87] =	sst lr;
	_ =	strace $0xD0000000  }
0x3: {  	_ = 	snop  }
0x4: {  	_ = 	snop  }
0x5: {  	_ = 	snop  }
0x6: {  	_ = 	snop  }
0x7: {  	_ = 	snop  }
__scs_overlays_trampoline_lowered:
0x8: {  	[smem:$0x3F96] =	sst s0  }
0x9: {  	[smem:$0x3F97] =	sst s1  }
0xa: {  	[smem:$0x3F98] =	sst s2  }
0xb: {  	[smem:$0x3F99] =	sst s3  }
0xc: {  	[smem:$0x3F9A] =	sst s4  }
0xd: {  	[smem:$0x3F9B] =	sst s5  }
0xe: {  	[smem:$0x3F9C] =	sst s6  }
0xf: {  	[smem:$0x3F9D] =	sst s7  }
0x10: {  	[smem:$0x3F9E] =	sst s8  }
0x11: {  	[smem:$0x3F9F] =	sst s9;
	s0 =	simm.s32 @!p0 $0x0  }
0x12: {  	s1 =	sld [smem:$0x3F85];
	s0 =	simm.s32 @p0 $0x1  }
0x13: {  	[smem:$0x3FA0] =	sst s0;
	s0 =	simm.s32 @!p1 $0x0  }
0x14: {  	s2 =	sld [smem:$0x3F84];
	s0 =	simm.s32 @p1 $0x1  }
0x15: {  	[smem:$0x3FA1] =	sst s0;
	s0 =	simm.s32 @!p2 $0x0  }
0x16: {  	s3 =	sld [smem:$0x3FDB];
	s0 =	simm.s32 @p2 $0x1  }
0x17: {  	s4 =	simm.s32 $0x1BF5;
	[smem:$0x3FA3] =	sst s0  }
0x18: {  	s0 =	sld [smem:$0x3F86];
	_ =	swait.ge [sflag:s4], $0x0  }
0x19: {  	s7 =	sld [smem:$0x3F87]  }
0x1a: {  	s8 =	sadd.s32 $0xFFFFE003, lr  }
0x1b: {  	s9 =	sadd.s32 $0xFFFFFEF7, lr;
	s5 =	simm.s32 $0xFFFFFFFF;
	p2 =	slt.u32 s8, $0xFFFFF086  }
0x1c: {  	p1 =	slt.u32 s9, $0xF7A;
	s5 =	simm.s32 @!p2 $0x0  }
0x1d: {  	s5 =	simm.s32 @p1 $0x1;
	p0 =	seq.s32 s7, s2  }
0x1e: {  	s7 =	smul.u32 @!p0 $0xF7A, s2;
	p2 =	seq.s32 @!p0 s5, $0x0  }
0x1f: {  	s9 =	smul.u32 $0xF7A, s1;
	s8 =	simm.s32 @!p0 $0x1BF5;
	p2 =	por !p2, p0  }
0x20: {  	[sflag:s8] =	ssyncset.s32 @!p0 $0xFFFFF086;
	s6 =	sadd.s32 @!p0 s3, s7;
	s7 =	simm.s32 @!p0 $0x108  }
0x21: {  	s3 =	sadd.s32 s3, s9;
	s6 =	sadd.s32 @!p0 $0x88, s6;
	s7 =	simm.s32 @p2 $0x1082  }
0x22: {  	[simem:s7], [sflag:s8] =	dma.local @!p0 [hbm:s6], $0xF7A  }
0x23: {  	s9 =	sor.u32 $0xD0000000, s2;
	s6 =	simm.s32 $0x108;
	_ =	swait.ge @!p0 [sflag:s8], $0x0  }
0x24: {  	s3 =	sadd.s32 $0x88, s3;
	s6 =	simm.s32 @!p1 $0x1082;
	[sflag:s4] =	ssyncset.s32 $0xFFFFF086  }
0x25: {  	[simem:s6], [sflag:s4] =	dma.local [hbm:s3], $0xF7A  }
0x26: {  	[smem:$0x3F87] =	sst s1;
	(tag) =	ssettag s2;
	_ =	strace s9  }
0x27: {  	s1 =	sld [smem:$0x3F97]  }
0x28: {  	s2 =	sld [smem:$0x3F98]  }
0x29: {  	s4 =	sld [smem:$0x3F9A]  }
0x2a: {  	p0 =	seq.s32 s5, $0x0;
	s5 =	sld [smem:$0x3F9B]  }
0x2b: {  	s6 =	sld [smem:$0x3F9C]  }
0x2c: {  	s7 =	sld [smem:$0x3F9D]  }
0x2d: {  	s3 =	simm.s32 $0x108;
	s8 =	sld [smem:$0x3F9E]  }
0x2e: {  	s3 =	simm.s32 @!p0 $0x1082;
	s9 =	sld [smem:$0x3F9F]  }
0x2f: {  	lr =	sadd.s32 s0, s3;
	s0 =	sld [smem:$0x3F96]  }
0x30: {  	s3 =	sld [smem:$0x3F99]  }
0x31: {  	[smem:$0x3FA2] =	sst s10  }
0x32: {  	s10 =	sld [smem:$0x3FA0];
	_ =	sdelay $0x3  }
0x33: {  	p0 =	seq.s32 s10, $0x1;
	s10 =	sld [smem:$0x3FA2];
	_ =	sdelay $0x3  }
0x34: {  	[smem:$0x3FA2] =	sst s10  }
0x35: {  	s10 =	sld [smem:$0x3FA1];
	_ =	sdelay $0x3  }
0x36: {  	p1 =	seq.s32 s10, $0x1;
	s10 =	sld [smem:$0x3FA2];
	_ =	sdelay $0x3  }
0x37: {  	[smem:$0x3FA2] =	sst s10  }
0x38: {  	s10 =	sld [smem:$0x3FA3]  }
0x39: {  	_ = 	snop;
	(pc) =	sbr.ind lr, $3  }
0x3a: {  	_ = 	snop  }
0x3b: {  	_ = 	snop  }
0x3c: {  	p2 =	seq.s32 s10, $0x1;
	s10 =	sld [smem:$0x3FA2]  }
0x3d: {  	_ =	shalt  }
0x3e: {  	_ =	shalt  }
0x3f: {  	_ =	shalt  }
0x40: {  	_ =	shalt  }
0x41: {  	_ =	shalt  }
0x42: {  	_ =	shalt  }
0x43: {  	_ =	shalt  }
0x44: {  	_ =	shalt  }
0x45: {  	_ =	shalt  }
0x46: {  	_ =	shalt  }
0x47: {  	_ =	shalt  }
0x48: {  	_ =	shalt  }
0x49: {  	_ =	shalt  }
0x4a: {  	_ =	shalt  }
0x4b: {  	_ =	shalt  }
0x4c: {  	_ =	shalt  }
0x4d: {  	_ =	shalt  }
0x4e: {  	_ =	shalt  }
0x4f: {  	_ =	shalt  }
0x50: {  	_ =	shalt  }
0x51: {  	_ =	shalt  }
0x52: {  	_ =	shalt  }
0x53: {  	_ =	shalt  }
0x54: {  	_ =	shalt  }
0x55: {  	_ =	shalt  }
0x56: {  	_ =	shalt  }
0x57: {  	_ =	shalt  }
0x58: {  	_ =	shalt  }
0x59: {  	_ =	shalt  }
0x5a: {  	_ =	shalt  }
0x5b: {  	_ =	shalt  }
0x5c: {  	_ =	shalt  }
0x5d: {  	_ =	shalt  }
0x5e: {  	_ =	shalt  }
0x5f: {  	_ =	shalt  }
0x60: {  	_ =	shalt  }
0x61: {  	_ =	shalt  }
0x62: {  	_ =	shalt  }
0x63: {  	_ =	shalt  }
0x64: {  	_ =	shalt  }
0x65: {  	_ =	shalt  }
0x66: {  	_ =	shalt  }
0x67: {  	_ =	shalt  }
0x68: {  	_ =	shalt  }
0x69: {  	_ =	shalt  }
0x6a: {  	_ =	shalt  }
0x6b: {  	_ =	shalt  }
0x6c: {  	_ =	shalt  }
0x6d: {  	_ =	shalt  }
0x6e: {  	_ =	shalt  }
0x6f: {  	_ =	shalt  }
0x70: {  	_ =	shalt  }
0x71: {  	_ =	shalt  }
0x72: {  	_ =	shalt  }
0x73: {  	_ =	shalt  }
0x74: {  	_ =	shalt  }
0x75: {  	_ =	shalt  }
0x76: {  	_ =	shalt  }
0x77: {  	_ =	shalt  }
0x78: {  	_ =	shalt  }
0x79: {  	_ =	shalt  }
0x7a: {  	_ =	shalt  }
0x7b: {  	_ =	shalt  }
0x7c: {  	_ =	shalt  }
0x7d: {  	_ =	shalt  }
0x7e: {  	_ =	shalt  }
0x7f: {  	_ =	shalt  }
0x80: {  	_ =	shalt  }
0x81: {  	_ =	shalt  }
0x82: {  	_ =	shalt  }
0x83: {  	_ =	shalt  }
0x84: {  	_ =	shalt  }
0x85: {  	_ =	shalt  }
0x86: {  	_ =	shalt  }
0x87: {  	_ =	shalt  }
.Lfunc_end0:
.L_simem_size_0:
called_computation_lowered:
.L_overlay_start_0:
0x88: {  	s2 =	sld [smem:$0x3FD9]  }
0x89: {  	s3 =	sld [smem:$0x3FFE];
	_ =	sdelay $0x1  }
0x8a: {  	s1 =	srdreg.scid  }
0x8b: {  	s0 =	sand.u32 $0x1, s1  }
0x8c: {  	s17 =	sshll.u32 s0, $0xA;
	s2 =	sadd.s32 s3, s2  }
0x8d: {  	s2 =	sadd.s32 s2, s17  }
0x8e: {  	[smem:$0x3FAE] =	sst s2  }
0x8f: {  	_ = 	snop  }
0x90: {  	s2 =	sld [smem:$0x3FD0];
	(tm) =	ssettm $0x1  }
0x91: {  	s18 =	sld [smem:$0x3FFB];
	_ =	sdelay $0x3  }
0x92: {  	_ =	strace s18  }
0x93: {  	s3 =	sld [smem:$0x3FFC];
	_ =	sdelay $0x3  }
0x94: {  	_ =	strace s3  }
0x95: {  	s3 =	sld [smem:$0x3FFD];
	_ =	sdelay $0x3  }
0x96: {  	_ =	strace s3  }
0x97: {  	_ =	strace $0x8FFFFFFF  }
0x98: {  	s19 =	sld [smem:$0x3FDB];
	_ =	sdelay $0x1  }
0x99: {  	s4 =	simm.s32 $_scs_section_size  }
0x9a: {  	s5 =	simm.s32 $_size__tile_overlayer_lowered;
	s6 =	simm.s32 $_tile_overlayer_lowered  }
0x9b: {  	s22 =	simm.s32 $0x1BFF;
	s21 =	sshll.u32 s6, $0x1;
	s3 =	sadd.s32 s4, s19  }
0x9c: {  	s7 =	simm.s32 $0x0;
	s20 =	sshll.u32 s5, $0x1;
	s5 =	sadd.s32 s21, s3  }
0x9d: {  	[timem:s7], [sflag:s22] =	dma.local [hbm:s5], s20  }
0x9e: {  	_ =	swait.ge [sflag:s22], s20  }
0x9f: {  	s4 =	ssub.s32 $0x0, s20;
	[sflag:s22] =	ssyncset.done $0x0  }
0xa0: {  	[sflag:s22] =	ssyncadd.s32 s4;
	_ =	sdelay $0x1  }
0xa1: {  	s23 =	simm.s32 $0x1B8B  }
0xa2: {  	_ =	swait.ge [sflag:s23], $0x1  }
0xa3: {  	[sflag:s23] =	ssyncset.done $0x0  }
0xa4: {  	s25 =	simm.s32 $0x1B8E;
	s24 =	sld [smem:$0x3FFE];
	[sflag:s23] =	ssyncadd.s32 $0xFFFFFFFF  }
0xa5: {  	s26 =	simm.s32 $execute0_lowered;
	[smem:$0x3FD2] =	sst s25  }
0xa6: {  	s5 =	sshll.u32 s26, $0x1;
	_ =	strace $0x80000046;
	[dreg:$0x1] =	wrdreg $0xFFFFFFFF  }
0xa7: {  	s28 =	simm.s32 $_size_execute0_lowered;
	s3 =	sadd.s32 s3, s5;
	[dreg:$0x0] =	wrdreg $0x0  }
0xa8: {  	s5 =	sshll.u32 s28, $0x1;
	[dreg:$0x2] =	wrdreg s3  }
0xa9: {  	[dreg:$0x3] =	wrdreg s5  }
0xaa: {  	[dreg:$0x4] =	wrdreg $0xC0  }
0xab: {  	_ =	task [dreg:s7], $0x5FFFF  }
0xac: {  	[dreg:$0x1] =	wrdreg $0xFFFFFFFF  }
0xad: {  	[dreg:$0x0] =	wrdreg $0x60  }
0xae: {  	[dreg:$0x2] =	wrdreg s24  }
0xaf: {  	[dreg:$0x3] =	wrdreg s2  }
0xb0: {  	[dreg:$0x4] =	wrdreg $0x9  }
0xb1: {  	_ =	task.clear_ibuf [dreg:s7], $0x5FFFF;
	_ =	strace $0x90000046  }
0xb2: {  	s29 =	simm.s32 $0x9;
	_ =	strace $0x80000048  }
0xb3: {  	_ =	swait.ge [sflag:s29], $0x1  }
0xb4: {  	[sflag:s29] =	ssyncadd.s32 $0xFFFFFFFF  }
0xb5: {  	_ =	strace $0x90000048  }
0xb6: {  	_ =	sfence  }
0xb7: {  	s30 =	sld [smem:$0x0];
	_ =	sdelay $0x2  }
0xb8: {  	s31 =	sshll.u32 s1, $0xD;
	s1 =	sshrl.u32 s1, $0x2  }
0xb9: {  	s3 =	sand.u32 $0x4000, s31;
	s1 =	sadd.s32 s1, s30  }
0xba: {  	s0 =	sor.u32 s3, s0;
	s1 =	sshll.u32 s1, $0x11  }
0xbb: {  	s0 =	sor.u32 s1, s0  }
0xbc: {  	s0 =	sadd.s32 $0x8F2B, s0  }
0xbd: {  	[sflag:s0] =	ssyncadd.remote.s32 $0x1  }
0xbe: {  	_ =	sfence.sel $0xFFFF  }
0xbf: {  	[dreg:$0x0] =	wrdreg $0xFFFFFFFF;
	(pc) =	sbr.abs _section_cstart, $3  }
0xc0: {  	[dreg:$0x1] =	wrdreg $0xFFFFFFFF  }
0xc1: {  	_ =	task.clear_ibuf [dreg:s7], $0x2FFFF;
	_ =	strace $0x9FFFFFFF  }
0xc2: {  	(tm) =	ssettm $0x7FFFFFFF  }
0xc3: {  	_ =	shalt  }
tec
execute0_lowered:
.L_overlay_start_1:
0x0: {  	(tag) =	ssettag $0x1  }
0x1: {  	s1 =	srdreg.scid;
	s0 =	stileid.u32  }
0x2: {  	s7 =	rddreg [dreg:$0x0];
	s29 =	sand.u32 $0x1, s1;
	s3 =	sshll.u32 s0, $0x1  }
0x3: {  	s28 =	rddreg [dreg:$0x1];
	s6 =	sor.u32 s29, s3  }
0x4: {  	s2 =	simm.s32 $0x0;
	s5 =	simm.s32 $0x800;
	s30 =	sshll.u32 s6, $0xD  }
0x5: {  	s4 =	simm.s32 $0x2;
	[smem:$0x7FF] =	sst s2;
	s31 =	sadd.s32 s30, s7  }
0x6: {  	s1 =	rddreg [dreg:$0x2];
	_ =	strace $0x80000047;
	s3 =	sadd.s32 $0x5A00, s31  }
0x7: {  	[tilespmem:s5], [sflag:$0x2] =	stream.linear.gather [hbm4b:s3+s2], $0x10000, $0x38;
	[tilespmem:$0x10800] =	vst v63  }
0x8: {  	s6 =	sshll.u32 s6, $0x8;
	_ =	swait.ge [sflag:s4], $0x10000  }
0x9: {  	s6 =	sadd.s32 s6, s7;
	[sflag:s4] =	ssyncset.done $0x0  }
0xa: {  	s6 =	sadd.s32 $0x3800, s6;
	[sflag:s4] =	ssyncadd.s32 $0xFFFF0000  }
0xb: {  	[tilespmem:s2], [sflag:$0x2] =	stream.linear.gather [hbm4b:s6+s2], $0x800, $0x38;
	[tilespmem:$0x10800] =	vst v63  }
0xc: {  	_ =	swait.ge [sflag:s4], $0x800  }
0xd: {  	[sflag:s4] =	ssyncset.done $0x0  }
0xe: {  	s8 =	simm.s32 $0x80;
	s7 =	sadd.s32 $0x5800, s7;
	[sflag:s4] =	ssyncadd.s32 $0xFFFFF800  }
0xf: {  	[tilespmem:s5], [sflag:$0x1] =	stream.indirect.gather.add.f32 [hbm:s7], $0x80, s2, s8, $0xb8;
	[tilespmem:$0x10800] =	vst v63  }
0x10: {  	s9 =	simm.s32 $0x4800  }
0x11: {  	[tilespmem:s9], [sflag:$0x1] =	stream.indirect.gather.add.f32 [hbm:s7], $0x80, s8, s8, $0xb8;
	[tilespmem:$0x10800] =	vst v63  }
0x12: {  	s10 =	simm.s32 $0x100;
	s11 =	simm.s32 $0x8800  }
0x13: {  	[tilespmem:s11], [sflag:$0x1] =	stream.indirect.gather.add.f32 [hbm:s7], $0x80, s10, s8, $0xb8;
	[tilespmem:$0x10800] =	vst v63  }
0x14: {  	s12 =	simm.s32 $0x180;
	s13 =	simm.s32 $0xC800  }
0x15: {  	[tilespmem:s13], [sflag:$0x1] =	stream.indirect.gather.add.f32 [hbm:s7], $0x80, s12, s8, $0xb8;
	[tilespmem:$0x10800] =	vst v63  }
0x16: {  	s14 =	simm.s32 $0x200  }
0x17: {  	[tilespmem:s5], [sflag:$0x1] =	stream.indirect.gather.add.f32 [hbm:s7], $0x80, s14, s8, $0xb8;
	[tilespmem:$0x10800] =	vst v63  }
0x18: {  	s15 =	simm.s32 $0x280  }
0x19: {  	[tilespmem:s9], [sflag:$0x1] =	stream.indirect.gather.add.f32 [hbm:s7], $0x80, s15, s8, $0xb8;
	[tilespmem:$0x10800] =	vst v63  }
0x1a: {  	s16 =	simm.s32 $0x300  }
0x1b: {  	[tilespmem:s11], [sflag:$0x1] =	stream.indirect.gather.add.f32 [hbm:s7], $0x80, s16, s8, $0xb8;
	[tilespmem:$0x10800] =	vst v63  }
0x1c: {  	s17 =	simm.s32 $0x380  }
0x1d: {  	[tilespmem:s13], [sflag:$0x1] =	stream.indirect.gather.add.f32 [hbm:s7], $0x80, s17, s8, $0xb8;
	[tilespmem:$0x10800] =	vst v63  }
0x1e: {  	s18 =	simm.s32 $0x400  }
0x1f: {  	[tilespmem:s5], [sflag:$0x1] =	stream.indirect.gather.add.f32 [hbm:s7], $0x80, s18, s8, $0xb8;
	[tilespmem:$0x10800] =	vst v63  }
0x20: {  	s19 =	simm.s32 $0x480  }
0x21: {  	[tilespmem:s9], [sflag:$0x1] =	stream.indirect.gather.add.f32 [hbm:s7], $0x80, s19, s8, $0xb8;
	[tilespmem:$0x10800] =	vst v63  }
0x22: {  	s20 =	simm.s32 $0x500  }
0x23: {  	[tilespmem:s11], [sflag:$0x1] =	stream.indirect.gather.add.f32 [hbm:s7], $0x80, s20, s8, $0xb8;
	[tilespmem:$0x10800] =	vst v63  }
0x24: {  	s21 =	simm.s32 $0x580  }
0x25: {  	[tilespmem:s13], [sflag:$0x1] =	stream.indirect.gather.add.f32 [hbm:s7], $0x80, s21, s8, $0xb8;
	[tilespmem:$0x10800] =	vst v63  }
0x26: {  	s22 =	simm.s32 $0x600  }
0x27: {  	[tilespmem:s5], [sflag:$0x1] =	stream.indirect.gather.add.f32 [hbm:s7], $0x80, s22, s8, $0xb8;
	[tilespmem:$0x10800] =	vst v63  }
0x28: {  	s23 =	simm.s32 $0x680  }
0x29: {  	[tilespmem:s9], [sflag:$0x1] =	stream.indirect.gather.add.f32 [hbm:s7], $0x80, s23, s8, $0xb8;
	[tilespmem:$0x10800] =	vst v63  }
0x2a: {  	s24 =	simm.s32 $0x700  }
0x2b: {  	[tilespmem:s11], [sflag:$0x1] =	stream.indirect.gather.add.f32 [hbm:s7], $0x80, s24, s8, $0xb8;
	[tilespmem:$0x10800] =	vst v63  }
0x2c: {  	s25 =	simm.s32 $0x780;
	s26 =	simm.s32 $0x1  }
0x2d: {  	[tilespmem:s13], [sflag:$0x1] =	stream.indirect.gather.add.f32 [hbm:s7], $0x80, s25, s8, $0xb8;
	[tilespmem:$0x10800] =	vst v63  }
0x2e: {  	_ =	swait.ge [sflag:s26], $0x4000  }
0x2f: {  	[sflag:s26] =	ssyncset.done $0x0  }
0x30: {  	[sflag:s26] =	ssyncadd.s32 $0xFFFFC000  }
0x31: {  	_ =	swait.ge [sflag:s26], $0x4000  }
0x32: {  	[sflag:s26] =	ssyncset.done $0x0  }
0x33: {  	[sflag:s26] =	ssyncadd.s32 $0xFFFFC000  }
0x34: {  	_ =	swait.ge [sflag:s26], $0x4000  }
0x35: {  	[sflag:s26] =	ssyncset.done $0x0  }
0x36: {  	[sflag:s26] =	ssyncadd.s32 $0xFFFFC000  }
0x37: {  	_ =	swait.ge [sflag:s26], $0x4000  }
0x38: {  	[sflag:s26] =	ssyncset.done $0x0  }
0x39: {  	[sflag:s26] =	ssyncadd.s32 $0xFFFFC000  }
0x3a: {  	_ =	swait.ge [sflag:s26], $0x4000  }
0x3b: {  	[sflag:s26] =	ssyncset.done $0x0  }
0x3c: {  	[sflag:s26] =	ssyncadd.s32 $0xFFFFC000  }
0x3d: {  	_ =	swait.ge [sflag:s26], $0x4000  }
0x3e: {  	[sflag:s26] =	ssyncset.done $0x0  }
0x3f: {  	[sflag:s26] =	ssyncadd.s32 $0xFFFFC000  }
0x40: {  	_ =	swait.ge [sflag:s26], $0x4000  }
0x41: {  	[sflag:s26] =	ssyncset.done $0x0  }
0x42: {  	[sflag:s26] =	ssyncadd.s32 $0xFFFFC000  }
0x43: {  	_ =	swait.ge [sflag:s26], $0x4000  }
0x44: {  	[sflag:s26] =	ssyncset.done $0x0  }
0x45: {  	[sflag:s26] =	ssyncadd.s32 $0xFFFFC000  }
0x46: {  	_ =	swait.ge [sflag:s26], $0x4000  }
0x47: {  	[sflag:s26] =	ssyncset.done $0x0  }
0x48: {  	[sflag:s26] =	ssyncadd.s32 $0xFFFFC000  }
0x49: {  	_ =	swait.ge [sflag:s26], $0x4000  }
0x4a: {  	[sflag:s26] =	ssyncset.done $0x0  }
0x4b: {  	[sflag:s26] =	ssyncadd.s32 $0xFFFFC000  }
0x4c: {  	_ =	swait.ge [sflag:s26], $0x4000  }
0x4d: {  	[sflag:s26] =	ssyncset.done $0x0  }
0x4e: {  	[sflag:s26] =	ssyncadd.s32 $0xFFFFC000  }
0x4f: {  	_ =	swait.ge [sflag:s26], $0x4000  }
0x50: {  	[sflag:s26] =	ssyncset.done $0x0  }
0x51: {  	[sflag:s26] =	ssyncadd.s32 $0xFFFFC000  }
0x52: {  	_ =	swait.ge [sflag:s26], $0x4000  }
0x53: {  	[sflag:s26] =	ssyncset.done $0x0  }
0x54: {  	[sflag:s26] =	ssyncadd.s32 $0xFFFFC000  }
0x55: {  	_ =	swait.ge [sflag:s26], $0x4000  }
0x56: {  	[sflag:s26] =	ssyncset.done $0x0  }
0x57: {  	s29 =	ssub.s32 $0x2, s29;
	[sflag:s26] =	ssyncadd.s32 $0xFFFFC000  }
0x58: {  	s31 =	sshrl.u32 s29, $0x1;
	_ =	swait.ge [sflag:s26], $0x4000  }
0x59: {  	s29 =	ssub.s32 s29, s31;
	[sflag:s26] =	ssyncset.done $0x0  }
0x5a: {  	s29 =	smax.u32 s29, $0x1;
	[sflag:s26] =	ssyncadd.s32 $0xFFFFC000  }
0x5b: {  	p0 =	sne.s32 s29, $0x1;
	_ =	swait.ge [sflag:s26], $0x4000  }
.Ltmp0:
0x5c: {  	[sflag:s26] =	ssyncset.done $0x0;
	(pc) =	sbr.rel @!p0 .LBB2_2-.Ltmp0, $4  }
0x5d: {  	s28 =	sadd.s32 s28, s30;
	[sflag:s26] =	ssyncadd.s32 $0xFFFFC000  }
0x5e: {  	[hbm4b:s28+s2] =	stream.linear.scatter [tilespmem:s5], [sflag:$0x2], $0x10000, $0x38;
	[tilespmem:$0x10800] =	vst v63  }
0x5f: {  	_ =	swait.ge [sflag:s4], $0x10000  }
0x60: {  	s29 =	sadd.s32 $0xFFFFFFFF, s29;
	[sflag:s4] =	ssyncset.done $0x0  }
.LBB2_1:
0x61: {  	p0 =	sne.s32 s29, $0x1;
	s29 =	sadd.s32 $0xFFFFFFFF, s29;
	[sflag:s4] =	ssyncadd.s32 $0xFFFF0000  }
0x62: {  	[tilespmem:s5], [sflag:$0x2] =	stream.linear.gather [hbm4b:s3+s2], $0x10000, $0x38;
	[tilespmem:$0x10800] =	vst v63  }
0x63: {  	_ =	swait.ge [sflag:s4], $0x10000  }
0x64: {  	[sflag:s4] =	ssyncset.done $0x0  }
0x65: {  	[sflag:s4] =	ssyncadd.s32 $0xFFFF0000  }
0x66: {  	[tilespmem:s2], [sflag:$0x2] =	stream.linear.gather [hbm4b:s6+s2], $0x800, $0x38;
	[tilespmem:$0x10800] =	vst v63  }
0x67: {  	_ =	swait.ge [sflag:s4], $0x800  }
0x68: {  	[sflag:s4] =	ssyncset.done $0x0  }
0x69: {  	[sflag:s4] =	ssyncadd.s32 $0xFFFFF800  }
0x6a: {  	[tilespmem:s5], [sflag:$0x1] =	stream.indirect.gather.add.f32 [hbm:s7], $0x80, s2, s8, $0xb8;
	[tilespmem:$0x10800] =	vst v63  }
0x6b: {  	_ = 	snop  }
0x6c: {  	[tilespmem:s9], [sflag:$0x1] =	stream.indirect.gather.add.f32 [hbm:s7], $0x80, s8, s8, $0xb8;
	[tilespmem:$0x10800] =	vst v63  }
0x6d: {  	_ = 	snop  }
0x6e: {  	[tilespmem:s11], [sflag:$0x1] =	stream.indirect.gather.add.f32 [hbm:s7], $0x80, s10, s8, $0xb8;
	[tilespmem:$0x10800] =	vst v63  }
0x6f: {  	_ = 	snop  }
0x70: {  	[tilespmem:s13], [sflag:$0x1] =	stream.indirect.gather.add.f32 [hbm:s7], $0x80, s12, s8, $0xb8;
	[tilespmem:$0x10800] =	vst v63  }
0x71: {  	_ = 	snop  }
0x72: {  	[tilespmem:s5], [sflag:$0x1] =	stream.indirect.gather.add.f32 [hbm:s7], $0x80, s14, s8, $0xb8;
	[tilespmem:$0x10800] =	vst v63  }
0x73: {  	_ = 	snop  }
0x74: {  	[tilespmem:s9], [sflag:$0x1] =	stream.indirect.gather.add.f32 [hbm:s7], $0x80, s15, s8, $0xb8;
	[tilespmem:$0x10800] =	vst v63  }
0x75: {  	_ = 	snop  }
0x76: {  	[tilespmem:s11], [sflag:$0x1] =	stream.indirect.gather.add.f32 [hbm:s7], $0x80, s16, s8, $0xb8;
	[tilespmem:$0x10800] =	vst v63  }
0x77: {  	_ = 	snop  }
0x78: {  	[tilespmem:s13], [sflag:$0x1] =	stream.indirect.gather.add.f32 [hbm:s7], $0x80, s17, s8, $0xb8;
	[tilespmem:$0x10800] =	vst v63  }
0x79: {  	_ = 	snop  }
0x7a: {  	[tilespmem:s5], [sflag:$0x1] =	stream.indirect.gather.add.f32 [hbm:s7], $0x80, s18, s8, $0xb8;
	[tilespmem:$0x10800] =	vst v63  }
0x7b: {  	_ = 	snop  }
0x7c: {  	[tilespmem:s9], [sflag:$0x1] =	stream.indirect.gather.add.f32 [hbm:s7], $0x80, s19, s8, $0xb8;
	[tilespmem:$0x10800] =	vst v63  }
0x7d: {  	_ = 	snop  }
0x7e: {  	[tilespmem:s11], [sflag:$0x1] =	stream.indirect.gather.add.f32 [hbm:s7], $0x80, s20, s8, $0xb8;
	[tilespmem:$0x10800] =	vst v63  }
0x7f: {  	_ = 	snop  }
0x80: {  	[tilespmem:s13], [sflag:$0x1] =	stream.indirect.gather.add.f32 [hbm:s7], $0x80, s21, s8, $0xb8;
	[tilespmem:$0x10800] =	vst v63  }
0x81: {  	_ = 	snop  }
0x82: {  	[tilespmem:s5], [sflag:$0x1] =	stream.indirect.gather.add.f32 [hbm:s7], $0x80, s22, s8, $0xb8;
	[tilespmem:$0x10800] =	vst v63  }
0x83: {  	_ = 	snop  }
0x84: {  	[tilespmem:s9], [sflag:$0x1] =	stream.indirect.gather.add.f32 [hbm:s7], $0x80, s23, s8, $0xb8;
	[tilespmem:$0x10800] =	vst v63  }
0x85: {  	_ = 	snop  }
0x86: {  	[tilespmem:s11], [sflag:$0x1] =	stream.indirect.gather.add.f32 [hbm:s7], $0x80, s24, s8, $0xb8;
	[tilespmem:$0x10800] =	vst v63  }
0x87: {  	_ = 	snop  }
0x88: {  	[tilespmem:s13], [sflag:$0x1] =	stream.indirect.gather.add.f32 [hbm:s7], $0x80, s25, s8, $0xb8;
	[tilespmem:$0x10800] =	vst v63  }
0x89: {  	_ =	swait.ge [sflag:s26], $0x4000  }
0x8a: {  	[sflag:s26] =	ssyncset.done $0x0  }
0x8b: {  	[sflag:s26] =	ssyncadd.s32 $0xFFFFC000  }
0x8c: {  	_ =	swait.ge [sflag:s26], $0x4000  }
0x8d: {  	[sflag:s26] =	ssyncset.done $0x0  }
0x8e: {  	[sflag:s26] =	ssyncadd.s32 $0xFFFFC000  }
0x8f: {  	_ =	swait.ge [sflag:s26], $0x4000  }
0x90: {  	[sflag:s26] =	ssyncset.done $0x0  }
0x91: {  	[sflag:s26] =	ssyncadd.s32 $0xFFFFC000  }
0x92: {  	_ =	swait.ge [sflag:s26], $0x4000  }
0x93: {  	[sflag:s26] =	ssyncset.done $0x0  }
0x94: {  	[sflag:s26] =	ssyncadd.s32 $0xFFFFC000  }
0x95: {  	_ =	swait.ge [sflag:s26], $0x4000  }
0x96: {  	[sflag:s26] =	ssyncset.done $0x0  }
0x97: {  	[sflag:s26] =	ssyncadd.s32 $0xFFFFC000  }
0x98: {  	_ =	swait.ge [sflag:s26], $0x4000  }
0x99: {  	[sflag:s26] =	ssyncset.done $0x0  }
0x9a: {  	[sflag:s26] =	ssyncadd.s32 $0xFFFFC000  }
0x9b: {  	_ =	swait.ge [sflag:s26], $0x4000  }
0x9c: {  	[sflag:s26] =	ssyncset.done $0x0  }
0x9d: {  	[sflag:s26] =	ssyncadd.s32 $0xFFFFC000  }
0x9e: {  	_ =	swait.ge [sflag:s26], $0x4000  }
0x9f: {  	[sflag:s26] =	ssyncset.done $0x0  }
0xa0: {  	[sflag:s26] =	ssyncadd.s32 $0xFFFFC000  }
0xa1: {  	_ =	swait.ge [sflag:s26], $0x4000  }
0xa2: {  	[sflag:s26] =	ssyncset.done $0x0  }
0xa3: {  	[sflag:s26] =	ssyncadd.s32 $0xFFFFC000  }
0xa4: {  	_ =	swait.ge [sflag:s26], $0x4000  }
0xa5: {  	[sflag:s26] =	ssyncset.done $0x0  }
0xa6: {  	[sflag:s26] =	ssyncadd.s32 $0xFFFFC000  }
0xa7: {  	_ =	swait.ge [sflag:s26], $0x4000  }
0xa8: {  	[sflag:s26] =	ssyncset.done $0x0  }
0xa9: {  	[sflag:s26] =	ssyncadd.s32 $0xFFFFC000  }
0xaa: {  	_ =	swait.ge [sflag:s26], $0x4000  }
0xab: {  	[sflag:s26] =	ssyncset.done $0x0  }
0xac: {  	[sflag:s26] =	ssyncadd.s32 $0xFFFFC000  }
0xad: {  	_ =	swait.ge [sflag:s26], $0x4000  }
0xae: {  	[sflag:s26] =	ssyncset.done $0x0  }
0xaf: {  	[sflag:s26] =	ssyncadd.s32 $0xFFFFC000  }
0xb0: {  	_ =	swait.ge [sflag:s26], $0x4000  }
0xb1: {  	[sflag:s26] =	ssyncset.done $0x0  }
0xb2: {  	[sflag:s26] =	ssyncadd.s32 $0xFFFFC000  }
0xb3: {  	_ =	swait.ge [sflag:s26], $0x4000  }
0xb4: {  	[sflag:s26] =	ssyncset.done $0x0  }
0xb5: {  	[sflag:s26] =	ssyncadd.s32 $0xFFFFC000  }
0xb6: {  	_ =	swait.ge [sflag:s26], $0x4000  }
.Ltmp1:
0xb7: {  	[sflag:s26] =	ssyncset.done $0x0;
	(pc) =	sbr.rel @p0 .LBB2_1-.Ltmp1, $4  }
0xb8: {  	[sflag:s26] =	ssyncadd.s32 $0xFFFFC000  }
0xb9: {  	[hbm4b:s28+s2] =	stream.linear.scatter [tilespmem:s5], [sflag:$0x2], $0x10000, $0x38;
	[tilespmem:$0x10800] =	vst v63  }
0xba: {  	_ =	swait.ge [sflag:s4], $0x10000  }
0xbb: {  	[sflag:s4] =	ssyncset.done $0x0  }
.LBB2_2:
0xbc: {  	[sflag:s4] =	ssyncadd.s32 $0xFFFF0000  }
0xbd: {  	_ =	sfence.sel $0x180000  }
0xbe: {  	[bflag:$0x0] =	sbarrier.arrive $0xFFFF  }
0xbf: {  	p0 =	sne.s32 s0, $0x0;
	_ =	strace $0x90000047  }
0xc0: {  	s0 =	sadd.s32 @!p0 $0x100000, s1;
	[bflag:$0x2] =	sbarrier.arrive $0xFFFF  }
0xc1: {  	[sflag:s0] =	ssyncadd.tile.s32 @!p0 $0x1;
	_ =	shalt  }
.Lfunc_end2:
_tile_overlayer_lowered:
.L_overlay_start_2:
0xc2: {  	(tag) =	ssettag $0x2  }
0xc3: {  	s0 =	rddreg [dreg:$0x0];
	s2 =	stileid.u32  }
0xc4: {  	s1 =	rddreg [dreg:$0x1];
	p0 =	sne.s32 s2, $0x0  }
0xc5: {  	s3 =	rddreg [dreg:$0x2];
	[bflag:$0x3] =	sbarrier.arrive $0xFFFF;
	s2 =	simm.s32 @!p0 $0x1C02  }
0xc6: {  	[timem:s3], [sflag:s2] =	dma.local @!p0 [hbm:s0], s1  }
0xc7: {  	s0 =	simm.s32 @!p0 $0x2  }
0xc8: {  	_ =	swait.ge @!p0 [sflag:s0], s1  }
0xc9: {  	s1 =	ssub.s32 @!p0 $0x0, s1;
	[sflag:s0] =	ssyncset.done @!p0 $0x0  }
0xca: {  	[sflag:s0] =	ssyncadd.s32 @!p0 s1  }
0xcb: {  	[bflag:$0x3] =	sbarrier.arrive $0xFFFF  }
0xcc: {  	_ =	shalt  }

</sc_bundles>
